<compile_context>
chip_gen: v7x
topology: tpu7x:2x2x1
jax: 0.10.2.dev20260603
libtpu: 0.0.44.dev20260713+nightly
codegen_flags: <defaults>
</compile_context>

<pallas_src>
import functools

import jax
import jax.numpy as jnp
from jax import lax
from jax.experimental import pallas as pl
from jax.experimental.pallas import tpu as pltpu
from jax.experimental.pallas import tpu_sc as plsc

NC = 2
NS = 16
NW = NC * NS
LANES = 16
CH = 128
NBUF = 4
L = 2


def _build(B, H, T_kv, T_q, n_sel, D):
    rows_total = B * H * T_q * n_sel
    rows_per_w = rows_total // NW
    group_rows = T_q * n_sel
    groups_per_w = rows_per_w // group_rows
    n = rows_per_w // CH
    chunks_per_group = group_rows // CH
    assert n % NBUF == 0 and NBUF > L

    mesh = plsc.VectorSubcoreMesh(core_axis_name="c", subcore_axis_name="s")

    scratch = ([pltpu.VMEM((CH,), jnp.int32) for _ in range(NBUF)]
               + [pltpu.VMEM((CH, D), jnp.float32) for _ in range(NBUF)]
               + [pltpu.SemaphoreType.DMA for _ in range(3 * NBUF)])

    @functools.partial(
        pl.kernel,
        mesh=mesh,
        out_type=jax.ShapeDtypeStruct((rows_total, D), jnp.float32),
        scratch_types=scratch,
    )
    def gather_kernel(kv_hbm, idx_hbm, out_hbm, *sc):
        idx_bufs = sc[:NBUF]
        rows_bufs = sc[NBUF:2 * NBUF]
        gsems = sc[2 * NBUF:3 * NBUF]
        ssems = sc[3 * NBUF:4 * NBUF]
        isems = sc[4 * NBUF:5 * NBUF]

        wid = lax.axis_index("s") * NC + lax.axis_index("c")
        w_row0 = wid * rows_per_w

        def row0_of(j):
            return w_row0 + j * CH

        def idx_load(j, b):
            pltpu.async_copy(idx_hbm.at[pl.ds(row0_of(j), CH)],
                             idx_bufs[b], isems[b])

        def idx_wait(b):
            pltpu.make_async_copy(idx_hbm.at[pl.ds(w_row0, CH)],
                                  idx_bufs[b], isems[b]).wait()

        def rebase(j, b):
            base = ((wid * groups_per_w + j // chunks_per_group) * T_kv)
            bvec = jnp.broadcast_to(jnp.int32(0) + base, (LANES,))
            ref = idx_bufs[b]
            for k in range(CH // LANES):
                sl = pl.ds(LANES * k, LANES)
                ref[sl] = ref[sl] + bvec

        def gather(j, b):
            base = ((wid * groups_per_w + j // chunks_per_group) * T_kv)
            pltpu.async_copy(kv_hbm.at[pl.ds(base, T_kv)].at[idx_bufs[b]],
                             rows_bufs[b], gsems[b])

        def gather_wait(b):
            pltpu.make_async_copy(kv_hbm.at[pl.ds(0, T_kv)].at[idx_bufs[b]],
                                  rows_bufs[b], gsems[b]).wait()

        def store(j, b):
            pltpu.async_copy(rows_bufs[b],
                             out_hbm.at[pl.ds(row0_of(j), CH)], ssems[b])

        def store_wait(b):
            pltpu.make_async_copy(rows_bufs[b],
                                  out_hbm.at[pl.ds(w_row0, CH)],
                                  ssems[b]).wait()

        def retire(j, bl):
            gather_wait(bl)
            store(j - L, bl)
            idx_load(jnp.minimum(j - L + NBUF, n - 1), bl)

        for b in range(NBUF):
            idx_load(b, b)
        for j in range(NBUF):
            b = j % NBUF
            idx_wait(b)
            gather(j, b)
            if j >= L:
                retire(j, (j - L) % NBUF)

        def body(j, b):
            idx_wait(b)
            store_wait(b)
            gather(j, b)
            retire(j, (b - L) % NBUF)

        def blk(q, carry):
            j0 = NBUF * q + NBUF
            for i in range(NBUF):
                body(j0 + i, i)
            return carry

        lax.fori_loop(0, (n - NBUF) // NBUF, blk, 0)

        for t in range(L):
            jj = n - L + t
            b = jj % NBUF
            gather_wait(b)
            store(jj, b)
        for t in range(L):
            idx_wait((n + NBUF - 2 * L + t) % NBUF)
        for b in range(NBUF):
            store_wait(b)

    return gather_kernel


def kernel(kv_states, indices):
    B, H, T_kv, D = kv_states.shape
    _, _, T_q, n_sel = indices.shape
    kv_flat = kv_states.reshape(B * H * T_kv, D)
    idx_flat = indices.reshape(-1).astype(jnp.int32)
    out = _build(B, H, T_kv, T_q, n_sel, D)(kv_flat, idx_flat)
    return out.reshape(B, H, T_q, n_sel, D)

# --- scband reference (transcript-rebuilt; emitter-appended) ---
"""Pipeline reference for scband-token-selector-63909113365064 (READ-ONLY COPY).

The authoritative reference and input builder live on the scoring server;
editing this copy changes nothing except your own understanding.
"""

import jax, jax.numpy as jnp
import numpy as np


def setup_inputs(seed: int = 0) -> dict:
    key = jax.random.key(seed)
    k1, k2 = jax.random.split(key)
    kv_states = jax.random.normal(k1, (8, 16, 4096, 128), dtype=jnp.float32)
    indices = jax.random.randint(k2, (8, 16, 16, 128), 0, 4096, dtype=jnp.int64)
    return {"kv_states": kv_states, "indices": indices}


def reference(kv_states, indices):
    # kv_states: [B, H, T_kv, D]; indices: [B, H, T_q, n_selected]
    B, H, T_q, n_sel = indices.shape
    _, _, T_kv, D = kv_states.shape
    # indices.unsqueeze(-1).expand(..., D)
    idx_expanded = jnp.broadcast_to(indices[..., None], (B, H, T_q, n_sel, D))
    # kv_states.unsqueeze(2).expand(-1, -1, T_q, -1, -1)
    kv_expanded = jnp.broadcast_to(kv_states[:, :, None, :, :], (B, H, T_q, T_kv, D))
    # torch.gather(kv_expanded, dim=3, index=idx_expanded)
    selected = jnp.take_along_axis(kv_expanded, idx_expanded, axis=3)
    return selected

if __name__ == "__main__":
    import jax
    _d = setup_inputs()
    print(jax.jit(kernel)(*tuple(_d.values())))

</pallas_src>

<mosaic_0001>
#map = affine_map<(d0, d1) -> (0, 0)>
#map1 = affine_map<(d0, d1) -> (0)>
module attributes {stable_mosaic.version = 14 : i64} {
  func.func @gather_kernel(%arg0: i32, %arg1: i32, %arg2: memref<524288x128xf32, #tpu.memory_space<hbm>>, %arg3: memref<262144xi32, #tpu.memory_space<hbm>>, %arg4: memref<262144x128xf32, #tpu.memory_space<hbm>>, %arg5: memref<128xi32, #tpu.memory_space<vmem>>, %arg6: memref<128xi32, #tpu.memory_space<vmem>>, %arg7: memref<128xi32, #tpu.memory_space<vmem>>, %arg8: memref<128xi32, #tpu.memory_space<vmem>>, %arg9: memref<128x128xf32, #tpu.memory_space<vmem>>, %arg10: memref<128x128xf32, #tpu.memory_space<vmem>>, %arg11: memref<128x128xf32, #tpu.memory_space<vmem>>, %arg12: memref<128x128xf32, #tpu.memory_space<vmem>>, %arg13: memref<!tpu.dma_semaphore, #tpu.memory_space<semaphore_mem>>, %arg14: memref<!tpu.dma_semaphore, #tpu.memory_space<semaphore_mem>>, %arg15: memref<!tpu.dma_semaphore, #tpu.memory_space<semaphore_mem>>, %arg16: memref<!tpu.dma_semaphore, #tpu.memory_space<semaphore_mem>>, %arg17: memref<!tpu.dma_semaphore, #tpu.memory_space<semaphore_mem>>, %arg18: memref<!tpu.dma_semaphore, #tpu.memory_space<semaphore_mem>>, %arg19: memref<!tpu.dma_semaphore, #tpu.memory_space<semaphore_mem>>, %arg20: memref<!tpu.dma_semaphore, #tpu.memory_space<semaphore_mem>>, %arg21: memref<!tpu.dma_semaphore, #tpu.memory_space<semaphore_mem>>, %arg22: memref<!tpu.dma_semaphore, #tpu.memory_space<semaphore_mem>>, %arg23: memref<!tpu.dma_semaphore, #tpu.memory_space<semaphore_mem>>, %arg24: memref<!tpu.dma_semaphore, #tpu.memory_space<semaphore_mem>>) attributes {dimension_semantics = [#tpu.dimension_semantics<core_parallel>, #tpu.dimension_semantics<subcore_parallel>], iteration_bounds = array<i64: 2, 16>, scalar_prefetch = 0 : i64, scratch_operands = 20 : i64, tpu.core_type = #tpu.core_type<sc_vector_subcore>, window_params = [{transform_indices = #map}, {transform_indices = #map1}, {transform_indices = #map}]} {
    %mul3A = arith.constant 2 : i32
    %mul3A_0 = arith.muli %arg1, %mul3A : i32
    %add3A = arith.addi %mul3A_0, %arg0 : i32
    %mul3A_1 = arith.constant 8192 : i32
    %mul3A_2 = arith.muli %add3A, %mul3A_1 : i32
    %add3A_3 = arith.constant 0 : i32
    %add3A_4 = arith.addi %mul3A_2, %add3A_3 : i32
    %dma_start3A = tpu.memref_slice %arg3[%add3A_4] : memref<262144xi32, #tpu.memory_space<hbm>> -> memref<128xi32, #tpu.memory_space<hbm>>
    %dma_start3A_5 = tpu.memref_slice %arg3[%add3A_4] : memref<262144xi32, #tpu.memory_space<hbm>> -> memref<128xi32, #tpu.memory_space<hbm>>
    tpu.enqueue_dma source(%dma_start3A_5 : memref<128xi32, #tpu.memory_space<hbm>>) target(%arg5 : memref<128xi32, #tpu.memory_space<vmem>>) target_semaphore(%arg21 : memref<!tpu.dma_semaphore, #tpu.memory_space<semaphore_mem>>)
    %add3A_6 = arith.constant 128 : i32
    %add3A_7 = arith.addi %mul3A_2, %add3A_6 : i32
    %dma_start3A_8 = tpu.memref_slice %arg3[%add3A_7] : memref<262144xi32, #tpu.memory_space<hbm>> -> memref<128xi32, #tpu.memory_space<hbm>>
    %dma_start3A_9 = tpu.memref_slice %arg3[%add3A_7] : memref<262144xi32, #tpu.memory_space<hbm>> -> memref<128xi32, #tpu.memory_space<hbm>>
    tpu.enqueue_dma source(%dma_start3A_9 : memref<128xi32, #tpu.memory_space<hbm>>) target(%arg6 : memref<128xi32, #tpu.memory_space<vmem>>) target_semaphore(%arg22 : memref<!tpu.dma_semaphore, #tpu.memory_space<semaphore_mem>>)
    %add3A_10 = arith.constant 256 : i32
    %add3A_11 = arith.addi %mul3A_2, %add3A_10 : i32
    %dma_start3A_12 = tpu.memref_slice %arg3[%add3A_11] : memref<262144xi32, #tpu.memory_space<hbm>> -> memref<128xi32, #tpu.memory_space<hbm>>
    %dma_start3A_13 = tpu.memref_slice %arg3[%add3A_11] : memref<262144xi32, #tpu.memory_space<hbm>> -> memref<128xi32, #tpu.memory_space<hbm>>
    tpu.enqueue_dma source(%dma_start3A_13 : memref<128xi32, #tpu.memory_space<hbm>>) target(%arg7 : memref<128xi32, #tpu.memory_space<vmem>>) target_semaphore(%arg23 : memref<!tpu.dma_semaphore, #tpu.memory_space<semaphore_mem>>)
    %add3A_14 = arith.constant 384 : i32
    %add3A_15 = arith.addi %mul3A_2, %add3A_14 : i32
    %dma_start3A_16 = tpu.memref_slice %arg3[%add3A_15] : memref<262144xi32, #tpu.memory_space<hbm>> -> memref<128xi32, #tpu.memory_space<hbm>>
    %dma_start3A_17 = tpu.memref_slice %arg3[%add3A_15] : memref<262144xi32, #tpu.memory_space<hbm>> -> memref<128xi32, #tpu.memory_space<hbm>>
    tpu.enqueue_dma source(%dma_start3A_17 : memref<128xi32, #tpu.memory_space<hbm>>) target(%arg8 : memref<128xi32, #tpu.memory_space<vmem>>) target_semaphore(%arg24 : memref<!tpu.dma_semaphore, #tpu.memory_space<semaphore_mem>>)
    %dma_wait3A = tpu.memref_slice %arg3[%mul3A_2] : memref<262144xi32, #tpu.memory_space<hbm>> -> memref<128xi32, #tpu.memory_space<hbm>>
    %dma_wait3A_18 = tpu.memref_slice %arg3[%mul3A_2] : memref<262144xi32, #tpu.memory_space<hbm>> -> memref<128xi32, #tpu.memory_space<hbm>>
    tpu.wait_dma2 semaphore(%arg21 : memref<!tpu.dma_semaphore, #tpu.memory_space<semaphore_mem>>) src(%dma_wait3A_18 : memref<128xi32, #tpu.memory_space<hbm>>) dst(%arg5 : memref<128xi32, #tpu.memory_space<vmem>>)
    %mul3A_19 = arith.constant 4 : i32
    %mul3A_20 = arith.muli %add3A, %mul3A_19 : i32
    %add3A_21 = arith.constant 0 : i32
    %add3A_22 = arith.addi %mul3A_20, %add3A_21 : i32
    %mul3A_23 = arith.constant 4096 : i32
    %mul3A_24 = arith.muli %add3A_22, %mul3A_23 : i32
    %dma_start3A_25 = arith.constant 0 : i32
    %dma_start3A_26 = tpu.memref_slice %arg2[%mul3A_24, %dma_start3A_25] : memref<524288x128xf32, #tpu.memory_space<hbm>> -> memref<4096x128xf32, #tpu.memory_space<hbm>>
    %dma_start3A_27 = arith.constant 0 : i32
    %dma_start3A_28 = arith.constant 0 : i32
    %dma_start3A_29 = tpu.memref_slice %dma_start3A_26[%dma_start3A_27, %dma_start3A_28] : memref<4096x128xf32, #tpu.memory_space<hbm>> -> memref<4096x128xf32, #tpu.memory_space<hbm>>
    tpu.enqueue_indirect_dma source(%dma_start3A_29 : memref<4096x128xf32, #tpu.memory_space<hbm>>) target(%arg9 : memref<128x128xf32, #tpu.memory_space<vmem>>) offsets(%arg5 : memref<128xi32, #tpu.memory_space<vmem>>) semaphore(%arg13 : memref<!tpu.dma_semaphore, #tpu.memory_space<semaphore_mem>>)
    %dma_wait3A_30 = tpu.memref_slice %arg3[%mul3A_2] : memref<262144xi32, #tpu.memory_space<hbm>> -> memref<128xi32, #tpu.memory_space<hbm>>
    %dma_wait3A_31 = tpu.memref_slice %arg3[%mul3A_2] : memref<262144xi32, #tpu.memory_space<hbm>> -> memref<128xi32, #tpu.memory_space<hbm>>
    tpu.wait_dma2 semaphore(%arg22 : memref<!tpu.dma_semaphore, #tpu.memory_space<semaphore_mem>>) src(%dma_wait3A_31 : memref<128xi32, #tpu.memory_space<hbm>>) dst(%arg6 : memref<128xi32, #tpu.memory_space<vmem>>)
    %mul3A_32 = arith.constant 4 : i32
    %mul3A_33 = arith.muli %add3A, %mul3A_32 : i32
    %add3A_34 = arith.constant 0 : i32
    %add3A_35 = arith.addi %mul3A_33, %add3A_34 : i32
    %mul3A_36 = arith.constant 4096 : i32
    %mul3A_37 = arith.muli %add3A_35, %mul3A_36 : i32
    %dma_start3A_38 = arith.constant 0 : i32
    %dma_start3A_39 = tpu.memref_slice %arg2[%mul3A_37, %dma_start3A_38] : memref<524288x128xf32, #tpu.memory_space<hbm>> -> memref<4096x128xf32, #tpu.memory_space<hbm>>
    %dma_start3A_40 = arith.constant 0 : i32
    %dma_start3A_41 = arith.constant 0 : i32
    %dma_start3A_42 = tpu.memref_slice %dma_start3A_39[%dma_start3A_40, %dma_start3A_41] : memref<4096x128xf32, #tpu.memory_space<hbm>> -> memref<4096x128xf32, #tpu.memory_space<hbm>>
    tpu.enqueue_indirect_dma source(%dma_start3A_42 : memref<4096x128xf32, #tpu.memory_space<hbm>>) target(%arg10 : memref<128x128xf32, #tpu.memory_space<vmem>>) offsets(%arg6 : memref<128xi32, #tpu.memory_space<vmem>>) semaphore(%arg14 : memref<!tpu.dma_semaphore, #tpu.memory_space<semaphore_mem>>)
    %dma_wait3A_43 = tpu.memref_slice %arg3[%mul3A_2] : memref<262144xi32, #tpu.memory_space<hbm>> -> memref<128xi32, #tpu.memory_space<hbm>>
    %dma_wait3A_44 = tpu.memref_slice %arg3[%mul3A_2] : memref<262144xi32, #tpu.memory_space<hbm>> -> memref<128xi32, #tpu.memory_space<hbm>>
    tpu.wait_dma2 semaphore(%arg23 : memref<!tpu.dma_semaphore, #tpu.memory_space<semaphore_mem>>) src(%dma_wait3A_44 : memref<128xi32, #tpu.memory_space<hbm>>) dst(%arg7 : memref<128xi32, #tpu.memory_space<vmem>>)
    %mul3A_45 = arith.constant 4 : i32
    %mul3A_46 = arith.muli %add3A, %mul3A_45 : i32
    %add3A_47 = arith.constant 0 : i32
    %add3A_48 = arith.addi %mul3A_46, %add3A_47 : i32
    %mul3A_49 = arith.constant 4096 : i32
    %mul3A_50 = arith.muli %add3A_48, %mul3A_49 : i32
    %dma_start3A_51 = arith.constant 0 : i32
    %dma_start3A_52 = tpu.memref_slice %arg2[%mul3A_50, %dma_start3A_51] : memref<524288x128xf32, #tpu.memory_space<hbm>> -> memref<4096x128xf32, #tpu.memory_space<hbm>>
    %dma_start3A_53 = arith.constant 0 : i32
    %dma_start3A_54 = arith.constant 0 : i32
    %dma_start3A_55 = tpu.memref_slice %dma_start3A_52[%dma_start3A_53, %dma_start3A_54] : memref<4096x128xf32, #tpu.memory_space<hbm>> -> memref<4096x128xf32, #tpu.memory_space<hbm>>
    tpu.enqueue_indirect_dma source(%dma_start3A_55 : memref<4096x128xf32, #tpu.memory_space<hbm>>) target(%arg11 : memref<128x128xf32, #tpu.memory_space<vmem>>) offsets(%arg7 : memref<128xi32, #tpu.memory_space<vmem>>) semaphore(%arg15 : memref<!tpu.dma_semaphore, #tpu.memory_space<semaphore_mem>>)
    %dma_wait3A_56 = arith.constant 0 : i32
    %dma_wait3A_57 = arith.constant 0 : i32
    %dma_wait3A_58 = tpu.memref_slice %arg2[%dma_wait3A_56, %dma_wait3A_57] : memref<524288x128xf32, #tpu.memory_space<hbm>> -> memref<4096x128xf32, #tpu.memory_space<hbm>>
    %dma_wait3A_59 = arith.constant 0 : i32
    %dma_wait3A_60 = arith.constant 0 : i32
    %dma_wait3A_61 = tpu.memref_slice %dma_wait3A_58[%dma_wait3A_59, %dma_wait3A_60] : memref<4096x128xf32, #tpu.memory_space<hbm>> -> memref<4096x128xf32, #tpu.memory_space<hbm>>
    tpu.wait_indirect_dma semaphore(%arg13 : memref<!tpu.dma_semaphore, #tpu.memory_space<semaphore_mem>>) src(%dma_wait3A_61 : memref<4096x128xf32, #tpu.memory_space<hbm>>) dst(%arg9 : memref<128x128xf32, #tpu.memory_space<vmem>>)
    %add3A_62 = arith.constant 0 : i32
    %add3A_63 = arith.addi %mul3A_2, %add3A_62 : i32
    %dma_start3A_64 = arith.constant 0 : i32
    %dma_start3A_65 = tpu.memref_slice %arg4[%add3A_63, %dma_start3A_64] : memref<262144x128xf32, #tpu.memory_space<hbm>> -> memref<128x128xf32, #tpu.memory_space<hbm>>
    %dma_start3A_66 = arith.constant 0 : i32
    %dma_start3A_67 = tpu.memref_slice %arg4[%add3A_63, %dma_start3A_66] : memref<262144x128xf32, #tpu.memory_space<hbm>> -> memref<128x128xf32, #tpu.memory_space<hbm>>
    tpu.enqueue_dma source(%arg9 : memref<128x128xf32, #tpu.memory_space<vmem>>) target(%dma_start3A_67 : memref<128x128xf32, #tpu.memory_space<hbm>>) target_semaphore(%arg17 : memref<!tpu.dma_semaphore, #tpu.memory_space<semaphore_mem>>)
    %min3A = arith.constant 4 : i32
    %min3A_68 = arith.constant 63 : i32
    %min3A_69 = arith.minsi %min3A, %min3A_68 : i32
    %mul3A_70 = arith.constant 128 : i32
    %mul3A_71 = arith.muli %min3A_69, %mul3A_70 : i32
    %add3A_72 = arith.addi %mul3A_2, %mul3A_71 : i32
    %dma_start3A_73 = tpu.memref_slice %arg3[%add3A_72] : memref<262144xi32, #tpu.memory_space<hbm>> -> memref<128xi32, #tpu.memory_space<hbm>>
    %dma_start3A_74 = tpu.memref_slice %arg3[%add3A_72] : memref<262144xi32, #tpu.memory_space<hbm>> -> memref<128xi32, #tpu.memory_space<hbm>>
    tpu.enqueue_dma source(%dma_start3A_74 : memref<128xi32, #tpu.memory_space<hbm>>) target(%arg5 : memref<128xi32, #tpu.memory_space<vmem>>) target_semaphore(%arg21 : memref<!tpu.dma_semaphore, #tpu.memory_space<semaphore_mem>>)
    %dma_wait3A_75 = tpu.memref_slice %arg3[%mul3A_2] : memref<262144xi32, #tpu.memory_space<hbm>> -> memref<128xi32, #tpu.memory_space<hbm>>
    %dma_wait3A_76 = tpu.memref_slice %arg3[%mul3A_2] : memref<262144xi32, #tpu.memory_space<hbm>> -> memref<128xi32, #tpu.memory_space<hbm>>
    tpu.wait_dma2 semaphore(%arg24 : memref<!tpu.dma_semaphore, #tpu.memory_space<semaphore_mem>>) src(%dma_wait3A_76 : memref<128xi32, #tpu.memory_space<hbm>>) dst(%arg8 : memref<128xi32, #tpu.memory_space<vmem>>)
    %mul3A_77 = arith.constant 4 : i32
    %mul3A_78 = arith.muli %add3A, %mul3A_77 : i32
    %add3A_79 = arith.constant 0 : i32
    %add3A_80 = arith.addi %mul3A_78, %add3A_79 : i32
    %mul3A_81 = arith.constant 4096 : i32
    %mul3A_82 = arith.muli %add3A_80, %mul3A_81 : i32
    %dma_start3A_83 = arith.constant 0 : i32
    %dma_start3A_84 = tpu.memref_slice %arg2[%mul3A_82, %dma_start3A_83] : memref<524288x128xf32, #tpu.memory_space<hbm>> -> memref<4096x128xf32, #tpu.memory_space<hbm>>
    %dma_start3A_85 = arith.constant 0 : i32
    %dma_start3A_86 = arith.constant 0 : i32
    %dma_start3A_87 = tpu.memref_slice %dma_start3A_84[%dma_start3A_85, %dma_start3A_86] : memref<4096x128xf32, #tpu.memory_space<hbm>> -> memref<4096x128xf32, #tpu.memory_space<hbm>>
    tpu.enqueue_indirect_dma source(%dma_start3A_87 : memref<4096x128xf32, #tpu.memory_space<hbm>>) target(%arg12 : memref<128x128xf32, #tpu.memory_space<vmem>>) offsets(%arg8 : memref<128xi32, #tpu.memory_space<vmem>>) semaphore(%arg16 : memref<!tpu.dma_semaphore, #tpu.memory_space<semaphore_mem>>)
    %dma_wait3A_88 = arith.constant 0 : i32
    %dma_wait3A_89 = arith.constant 0 : i32
    %dma_wait3A_90 = tpu.memref_slice %arg2[%dma_wait3A_88, %dma_wait3A_89] : memref<524288x128xf32, #tpu.memory_space<hbm>> -> memref<4096x128xf32, #tpu.memory_space<hbm>>
    %dma_wait3A_91 = arith.constant 0 : i32
    %dma_wait3A_92 = arith.constant 0 : i32
    %dma_wait3A_93 = tpu.memref_slice %dma_wait3A_90[%dma_wait3A_91, %dma_wait3A_92] : memref<4096x128xf32, #tpu.memory_space<hbm>> -> memref<4096x128xf32, #tpu.memory_space<hbm>>
    tpu.wait_indirect_dma semaphore(%arg14 : memref<!tpu.dma_semaphore, #tpu.memory_space<semaphore_mem>>) src(%dma_wait3A_93 : memref<4096x128xf32, #tpu.memory_space<hbm>>) dst(%arg10 : memref<128x128xf32, #tpu.memory_space<vmem>>)
    %add3A_94 = arith.constant 128 : i32
    %add3A_95 = arith.addi %mul3A_2, %add3A_94 : i32
    %dma_start3A_96 = arith.constant 0 : i32
    %dma_start3A_97 = tpu.memref_slice %arg4[%add3A_95, %dma_start3A_96] : memref<262144x128xf32, #tpu.memory_space<hbm>> -> memref<128x128xf32, #tpu.memory_space<hbm>>
    %dma_start3A_98 = arith.constant 0 : i32
    %dma_start3A_99 = tpu.memref_slice %arg4[%add3A_95, %dma_start3A_98] : memref<262144x128xf32, #tpu.memory_space<hbm>> -> memref<128x128xf32, #tpu.memory_space<hbm>>
    tpu.enqueue_dma source(%arg10 : memref<128x128xf32, #tpu.memory_space<vmem>>) target(%dma_start3A_99 : memref<128x128xf32, #tpu.memory_space<hbm>>) target_semaphore(%arg18 : memref<!tpu.dma_semaphore, #tpu.memory_space<semaphore_mem>>)
    %min3A_100 = arith.constant 5 : i32
    %min3A_101 = arith.constant 63 : i32
    %min3A_102 = arith.minsi %min3A_100, %min3A_101 : i32
    %mul3A_103 = arith.constant 128 : i32
    %mul3A_104 = arith.muli %min3A_102, %mul3A_103 : i32
    %add3A_105 = arith.addi %mul3A_2, %mul3A_104 : i32
    %dma_start3A_106 = tpu.memref_slice %arg3[%add3A_105] : memref<262144xi32, #tpu.memory_space<hbm>> -> memref<128xi32, #tpu.memory_space<hbm>>
    %dma_start3A_107 = tpu.memref_slice %arg3[%add3A_105] : memref<262144xi32, #tpu.memory_space<hbm>> -> memref<128xi32, #tpu.memory_space<hbm>>
    tpu.enqueue_dma source(%dma_start3A_107 : memref<128xi32, #tpu.memory_space<hbm>>) target(%arg6 : memref<128xi32, #tpu.memory_space<vmem>>) target_semaphore(%arg22 : memref<!tpu.dma_semaphore, #tpu.memory_space<semaphore_mem>>)
    %scan3A = arith.constant 0 : i32
    %scan3A_108 = arith.constant 0 : i32
    %scan3A_109 = arith.constant 15 : i32
    %scan3A_110 = arith.addi %scan3A_108, %scan3A_109 : i32
    %scan3A_111 = arith.constant 1 : i32
    scf.for %scan3A_157 = %scan3A_108 to %scan3A_110 step %scan3A_111  : i32 {
      %mul3A_158 = arith.constant 4 : i32
      %mul3A_159 = arith.muli %mul3A_158, %scan3A_157 : i32
      %add3A_160 = arith.constant 4 : i32
      %add3A_161 = arith.addi %mul3A_159, %add3A_160 : i32
      %add3A_162 = arith.constant 0 : i32
      %add3A_163 = arith.addi %add3A_161, %add3A_162 : i32
      %dma_wait3A_164 = tpu.memref_slice %arg3[%mul3A_2] : memref<262144xi32, #tpu.memory_space<hbm>> -> memref<128xi32, #tpu.memory_space<hbm>>
      %dma_wait3A_165 = tpu.memref_slice %arg3[%mul3A_2] : memref<262144xi32, #tpu.memory_space<hbm>> -> memref<128xi32, #tpu.memory_space<hbm>>
      tpu.wait_dma2 semaphore(%arg21 : memref<!tpu.dma_semaphore, #tpu.memory_space<semaphore_mem>>) src(%dma_wait3A_165 : memref<128xi32, #tpu.memory_space<hbm>>) dst(%arg5 : memref<128xi32, #tpu.memory_space<vmem>>)
      %dma_wait3A_166 = arith.constant 0 : i32
      %dma_wait3A_167 = tpu.memref_slice %arg4[%mul3A_2, %dma_wait3A_166] : memref<262144x128xf32, #tpu.memory_space<hbm>> -> memref<128x128xf32, #tpu.memory_space<hbm>>
      %dma_wait3A_168 = arith.constant 0 : i32
      %dma_wait3A_169 = tpu.memref_slice %arg4[%mul3A_2, %dma_wait3A_168] : memref<262144x128xf32, #tpu.memory_space<hbm>> -> memref<128x128xf32, #tpu.memory_space<hbm>>
      tpu.wait_dma2 semaphore(%arg17 : memref<!tpu.dma_semaphore, #tpu.memory_space<semaphore_mem>>) src(%arg9 : memref<128x128xf32, #tpu.memory_space<vmem>>) dst(%dma_wait3A_169 : memref<128x128xf32, #tpu.memory_space<hbm>>)
      %mul3A_170 = arith.constant 4 : i32
      %mul3A_171 = arith.muli %add3A, %mul3A_170 : i32
      %jit3A = arith.constant 16 : i32
      %div3A = arith.divsi %add3A_163, %jit3A : i32
      %sign3A = arith.constant 0 : i32
      %sign3A_172 = arith.cmpi sgt, %add3A_163, %sign3A : i32
      %sign3A_173 = arith.extui %sign3A_172 : i1 to i32
      %sign3A_174 = arith.constant 0 : i32
      %sign3A_175 = arith.cmpi slt, %add3A_163, %sign3A_174 : i32
      %sign3A_176 = arith.extui %sign3A_175 : i1 to i32
      %sign3A_177 = arith.subi %sign3A_173, %sign3A_176 : i32
      %sign3A_178 = arith.constant 0 : i32
      %sign3A_179 = arith.cmpi sgt, %jit3A, %sign3A_178 : i32
      %sign3A_180 = arith.extui %sign3A_179 : i1 to i32
      %sign3A_181 = arith.constant 0 : i32
      %sign3A_182 = arith.cmpi slt, %jit3A, %sign3A_181 : i32
      %sign3A_183 = arith.extui %sign3A_182 : i1 to i32
      %sign3A_184 = arith.subi %sign3A_180, %sign3A_183 : i32
      %ne3A = arith.cmpi ne, %sign3A_177, %sign3A_184 : i32
      %rem3A = arith.remsi %add3A_163, %jit3A : i32
      %ne3A_185 = arith.constant 0 : i32
      %ne3A_186 = arith.cmpi ne, %rem3A, %ne3A_185 : i32
      %and3A = arith.andi %ne3A, %ne3A_186 : i1
      %sub3A = arith.constant 1 : i32
      %sub3A_187 = arith.subi %div3A, %sub3A : i32
      %select_n3A = arith.select %and3A, %sub3A_187, %div3A : i32
      %add3A_188 = arith.addi %mul3A_171, %select_n3A : i32
      %mul3A_189 = arith.constant 4096 : i32
      %mul3A_190 = arith.muli %add3A_188, %mul3A_189 : i32
      %dma_start3A_191 = arith.constant 0 : i32
      %dma_start3A_192 = tpu.memref_slice %arg2[%mul3A_190, %dma_start3A_191] : memref<524288x128xf32, #tpu.memory_space<hbm>> -> memref<4096x128xf32, #tpu.memory_space<hbm>>
      %dma_start3A_193 = arith.constant 0 : i32
      %dma_start3A_194 = arith.constant 0 : i32
      %dma_start3A_195 = tpu.memref_slice %dma_start3A_192[%dma_start3A_193, %dma_start3A_194] : memref<4096x128xf32, #tpu.memory_space<hbm>> -> memref<4096x128xf32, #tpu.memory_space<hbm>>
      tpu.enqueue_indirect_dma source(%dma_start3A_195 : memref<4096x128xf32, #tpu.memory_space<hbm>>) target(%arg9 : memref<128x128xf32, #tpu.memory_space<vmem>>) offsets(%arg5 : memref<128xi32, #tpu.memory_space<vmem>>) semaphore(%arg13 : memref<!tpu.dma_semaphore, #tpu.memory_space<semaphore_mem>>)
      %dma_wait3A_196 = arith.constant 0 : i32
      %dma_wait3A_197 = arith.constant 0 : i32
      %dma_wait3A_198 = tpu.memref_slice %arg2[%dma_wait3A_196, %dma_wait3A_197] : memref<524288x128xf32, #tpu.memory_space<hbm>> -> memref<4096x128xf32, #tpu.memory_space<hbm>>
      %dma_wait3A_199 = arith.constant 0 : i32
      %dma_wait3A_200 = arith.constant 0 : i32
      %dma_wait3A_201 = tpu.memref_slice %dma_wait3A_198[%dma_wait3A_199, %dma_wait3A_200] : memref<4096x128xf32, #tpu.memory_space<hbm>> -> memref<4096x128xf32, #tpu.memory_space<hbm>>
      tpu.wait_indirect_dma semaphore(%arg15 : memref<!tpu.dma_semaphore, #tpu.memory_space<semaphore_mem>>) src(%dma_wait3A_201 : memref<4096x128xf32, #tpu.memory_space<hbm>>) dst(%arg11 : memref<128x128xf32, #tpu.memory_space<vmem>>)
      %sub3A_202 = arith.constant 2 : i32
      %sub3A_203 = arith.subi %add3A_163, %sub3A_202 : i32
      %mul3A_204 = arith.constant 128 : i32
      %mul3A_205 = arith.muli %sub3A_203, %mul3A_204 : i32
      %add3A_206 = arith.addi %mul3A_2, %mul3A_205 : i32
      %dma_start3A_207 = arith.constant 0 : i32
      %dma_start3A_208 = tpu.memref_slice %arg4[%add3A_206, %dma_start3A_207] : memref<262144x128xf32, #tpu.memory_space<hbm>> -> memref<128x128xf32, #tpu.memory_space<hbm>>
      %dma_start3A_209 = arith.constant 0 : i32
      %dma_start3A_210 = tpu.memref_slice %arg4[%add3A_206, %dma_start3A_209] : memref<262144x128xf32, #tpu.memory_space<hbm>> -> memref<128x128xf32, #tpu.memory_space<hbm>>
      tpu.enqueue_dma source(%arg11 : memref<128x128xf32, #tpu.memory_space<vmem>>) target(%dma_start3A_210 : memref<128x128xf32, #tpu.memory_space<hbm>>) target_semaphore(%arg19 : memref<!tpu.dma_semaphore, #tpu.memory_space<semaphore_mem>>)
      %sub3A_211 = arith.constant 2 : i32
      %sub3A_212 = arith.subi %add3A_163, %sub3A_211 : i32
      %add3A_213 = arith.constant 4 : i32
      %add3A_214 = arith.addi %sub3A_212, %add3A_213 : i32
      %min3A_215 = arith.constant 63 : i32
      %min3A_216 = arith.minsi %add3A_214, %min3A_215 : i32
      %mul3A_217 = arith.constant 128 : i32
      %mul3A_218 = arith.muli %min3A_216, %mul3A_217 : i32
      %add3A_219 = arith.addi %mul3A_2, %mul3A_218 : i32
      %dma_start3A_220 = tpu.memref_slice %arg3[%add3A_219] : memref<262144xi32, #tpu.memory_space<hbm>> -> memref<128xi32, #tpu.memory_space<hbm>>
      %dma_start3A_221 = tpu.memref_slice %arg3[%add3A_219] : memref<262144xi32, #tpu.memory_space<hbm>> -> memref<128xi32, #tpu.memory_space<hbm>>
      tpu.enqueue_dma source(%dma_start3A_221 : memref<128xi32, #tpu.memory_space<hbm>>) target(%arg7 : memref<128xi32, #tpu.memory_space<vmem>>) target_semaphore(%arg23 : memref<!tpu.dma_semaphore, #tpu.memory_space<semaphore_mem>>)
      %add3A_222 = arith.constant 1 : i32
      %add3A_223 = arith.addi %add3A_161, %add3A_222 : i32
      %dma_wait3A_224 = tpu.memref_slice %arg3[%mul3A_2] : memref<262144xi32, #tpu.memory_space<hbm>> -> memref<128xi32, #tpu.memory_space<hbm>>
      %dma_wait3A_225 = tpu.memref_slice %arg3[%mul3A_2] : memref<262144xi32, #tpu.memory_space<hbm>> -> memref<128xi32, #tpu.memory_space<hbm>>
      tpu.wait_dma2 semaphore(%arg22 : memref<!tpu.dma_semaphore, #tpu.memory_space<semaphore_mem>>) src(%dma_wait3A_225 : memref<128xi32, #tpu.memory_space<hbm>>) dst(%arg6 : memref<128xi32, #tpu.memory_space<vmem>>)
      %dma_wait3A_226 = arith.constant 0 : i32
      %dma_wait3A_227 = tpu.memref_slice %arg4[%mul3A_2, %dma_wait3A_226] : memref<262144x128xf32, #tpu.memory_space<hbm>> -> memref<128x128xf32, #tpu.memory_space<hbm>>
      %dma_wait3A_228 = arith.constant 0 : i32
      %dma_wait3A_229 = tpu.memref_slice %arg4[%mul3A_2, %dma_wait3A_228] : memref<262144x128xf32, #tpu.memory_space<hbm>> -> memref<128x128xf32, #tpu.memory_space<hbm>>
      tpu.wait_dma2 semaphore(%arg18 : memref<!tpu.dma_semaphore, #tpu.memory_space<semaphore_mem>>) src(%arg10 : memref<128x128xf32, #tpu.memory_space<vmem>>) dst(%dma_wait3A_229 : memref<128x128xf32, #tpu.memory_space<hbm>>)
      %mul3A_230 = arith.constant 4 : i32
      %mul3A_231 = arith.muli %add3A, %mul3A_230 : i32
      %jit3A_232 = arith.constant 16 : i32
      %div3A_233 = arith.divsi %add3A_223, %jit3A_232 : i32
      %sign3A_234 = arith.constant 0 : i32
      %sign3A_235 = arith.cmpi sgt, %add3A_223, %sign3A_234 : i32
      %sign3A_236 = arith.extui %sign3A_235 : i1 to i32
      %sign3A_237 = arith.constant 0 : i32
      %sign3A_238 = arith.cmpi slt, %add3A_223, %sign3A_237 : i32
      %sign3A_239 = arith.extui %sign3A_238 : i1 to i32
      %sign3A_240 = arith.subi %sign3A_236, %sign3A_239 : i32
      %sign3A_241 = arith.constant 0 : i32
      %sign3A_242 = arith.cmpi sgt, %jit3A_232, %sign3A_241 : i32
      %sign3A_243 = arith.extui %sign3A_242 : i1 to i32
      %sign3A_244 = arith.constant 0 : i32
      %sign3A_245 = arith.cmpi slt, %jit3A_232, %sign3A_244 : i32
      %sign3A_246 = arith.extui %sign3A_245 : i1 to i32
      %sign3A_247 = arith.subi %sign3A_243, %sign3A_246 : i32
      %ne3A_248 = arith.cmpi ne, %sign3A_240, %sign3A_247 : i32
      %rem3A_249 = arith.remsi %add3A_223, %jit3A_232 : i32
      %ne3A_250 = arith.constant 0 : i32
      %ne3A_251 = arith.cmpi ne, %rem3A_249, %ne3A_250 : i32
      %and3A_252 = arith.andi %ne3A_248, %ne3A_251 : i1
      %sub3A_253 = arith.constant 1 : i32
      %sub3A_254 = arith.subi %div3A_233, %sub3A_253 : i32
      %select_n3A_255 = arith.select %and3A_252, %sub3A_254, %div3A_233 : i32
      %add3A_256 = arith.addi %mul3A_231, %select_n3A_255 : i32
      %mul3A_257 = arith.constant 4096 : i32
      %mul3A_258 = arith.muli %add3A_256, %mul3A_257 : i32
      %dma_start3A_259 = arith.constant 0 : i32
      %dma_start3A_260 = tpu.memref_slice %arg2[%mul3A_258, %dma_start3A_259] : memref<524288x128xf32, #tpu.memory_space<hbm>> -> memref<4096x128xf32, #tpu.memory_space<hbm>>
      %dma_start3A_261 = arith.constant 0 : i32
      %dma_start3A_262 = arith.constant 0 : i32
      %dma_start3A_263 = tpu.memref_slice %dma_start3A_260[%dma_start3A_261, %dma_start3A_262] : memref<4096x128xf32, #tpu.memory_space<hbm>> -> memref<4096x128xf32, #tpu.memory_space<hbm>>
      tpu.enqueue_indirect_dma source(%dma_start3A_263 : memref<4096x128xf32, #tpu.memory_space<hbm>>) target(%arg10 : memref<128x128xf32, #tpu.memory_space<vmem>>) offsets(%arg6 : memref<128xi32, #tpu.memory_space<vmem>>) semaphore(%arg14 : memref<!tpu.dma_semaphore, #tpu.memory_space<semaphore_mem>>)
      %dma_wait3A_264 = arith.constant 0 : i32
      %dma_wait3A_265 = arith.constant 0 : i32
      %dma_wait3A_266 = tpu.memref_slice %arg2[%dma_wait3A_264, %dma_wait3A_265] : memref<524288x128xf32, #tpu.memory_space<hbm>> -> memref<4096x128xf32, #tpu.memory_space<hbm>>
      %dma_wait3A_267 = arith.constant 0 : i32
      %dma_wait3A_268 = arith.constant 0 : i32
      %dma_wait3A_269 = tpu.memref_slice %dma_wait3A_266[%dma_wait3A_267, %dma_wait3A_268] : memref<4096x128xf32, #tpu.memory_space<hbm>> -> memref<4096x128xf32, #tpu.memory_space<hbm>>
      tpu.wait_indirect_dma semaphore(%arg16 : memref<!tpu.dma_semaphore, #tpu.memory_space<semaphore_mem>>) src(%dma_wait3A_269 : memref<4096x128xf32, #tpu.memory_space<hbm>>) dst(%arg12 : memref<128x128xf32, #tpu.memory_space<vmem>>)
      %sub3A_270 = arith.constant 2 : i32
      %sub3A_271 = arith.subi %add3A_223, %sub3A_270 : i32
      %mul3A_272 = arith.constant 128 : i32
      %mul3A_273 = arith.muli %sub3A_271, %mul3A_272 : i32
      %add3A_274 = arith.addi %mul3A_2, %mul3A_273 : i32
      %dma_start3A_275 = arith.constant 0 : i32
      %dma_start3A_276 = tpu.memref_slice %arg4[%add3A_274, %dma_start3A_275] : memref<262144x128xf32, #tpu.memory_space<hbm>> -> memref<128x128xf32, #tpu.memory_space<hbm>>
      %dma_start3A_277 = arith.constant 0 : i32
      %dma_start3A_278 = tpu.memref_slice %arg4[%add3A_274, %dma_start3A_277] : memref<262144x128xf32, #tpu.memory_space<hbm>> -> memref<128x128xf32, #tpu.memory_space<hbm>>
      tpu.enqueue_dma source(%arg12 : memref<128x128xf32, #tpu.memory_space<vmem>>) target(%dma_start3A_278 : memref<128x128xf32, #tpu.memory_space<hbm>>) target_semaphore(%arg20 : memref<!tpu.dma_semaphore, #tpu.memory_space<semaphore_mem>>)
      %sub3A_279 = arith.constant 2 : i32
      %sub3A_280 = arith.subi %add3A_223, %sub3A_279 : i32
      %add3A_281 = arith.constant 4 : i32
      %add3A_282 = arith.addi %sub3A_280, %add3A_281 : i32
      %min3A_283 = arith.constant 63 : i32
      %min3A_284 = arith.minsi %add3A_282, %min3A_283 : i32
      %mul3A_285 = arith.constant 128 : i32
      %mul3A_286 = arith.muli %min3A_284, %mul3A_285 : i32
      %add3A_287 = arith.addi %mul3A_2, %mul3A_286 : i32
      %dma_start3A_288 = tpu.memref_slice %arg3[%add3A_287] : memref<262144xi32, #tpu.memory_space<hbm>> -> memref<128xi32, #tpu.memory_space<hbm>>
      %dma_start3A_289 = tpu.memref_slice %arg3[%add3A_287] : memref<262144xi32, #tpu.memory_space<hbm>> -> memref<128xi32, #tpu.memory_space<hbm>>
      tpu.enqueue_dma source(%dma_start3A_289 : memref<128xi32, #tpu.memory_space<hbm>>) target(%arg8 : memref<128xi32, #tpu.memory_space<vmem>>) target_semaphore(%arg24 : memref<!tpu.dma_semaphore, #tpu.memory_space<semaphore_mem>>)
      %add3A_290 = arith.constant 2 : i32
      %add3A_291 = arith.addi %add3A_161, %add3A_290 : i32
      %dma_wait3A_292 = tpu.memref_slice %arg3[%mul3A_2] : memref<262144xi32, #tpu.memory_space<hbm>> -> memref<128xi32, #tpu.memory_space<hbm>>
      %dma_wait3A_293 = tpu.memref_slice %arg3[%mul3A_2] : memref<262144xi32, #tpu.memory_space<hbm>> -> memref<128xi32, #tpu.memory_space<hbm>>
      tpu.wait_dma2 semaphore(%arg23 : memref<!tpu.dma_semaphore, #tpu.memory_space<semaphore_mem>>) src(%dma_wait3A_293 : memref<128xi32, #tpu.memory_space<hbm>>) dst(%arg7 : memref<128xi32, #tpu.memory_space<vmem>>)
      %dma_wait3A_294 = arith.constant 0 : i32
      %dma_wait3A_295 = tpu.memref_slice %arg4[%mul3A_2, %dma_wait3A_294] : memref<262144x128xf32, #tpu.memory_space<hbm>> -> memref<128x128xf32, #tpu.memory_space<hbm>>
      %dma_wait3A_296 = arith.constant 0 : i32
      %dma_wait3A_297 = tpu.memref_slice %arg4[%mul3A_2, %dma_wait3A_296] : memref<262144x128xf32, #tpu.memory_space<hbm>> -> memref<128x128xf32, #tpu.memory_space<hbm>>
      tpu.wait_dma2 semaphore(%arg19 : memref<!tpu.dma_semaphore, #tpu.memory_space<semaphore_mem>>) src(%arg11 : memref<128x128xf32, #tpu.memory_space<vmem>>) dst(%dma_wait3A_297 : memref<128x128xf32, #tpu.memory_space<hbm>>)
      %mul3A_298 = arith.constant 4 : i32
      %mul3A_299 = arith.muli %add3A, %mul3A_298 : i32
      %jit3A_300 = arith.constant 16 : i32
      %div3A_301 = arith.divsi %add3A_291, %jit3A_300 : i32
      %sign3A_302 = arith.constant 0 : i32
      %sign3A_303 = arith.cmpi sgt, %add3A_291, %sign3A_302 : i32
      %sign3A_304 = arith.extui %sign3A_303 : i1 to i32
      %sign3A_305 = arith.constant 0 : i32
      %sign3A_306 = arith.cmpi slt, %add3A_291, %sign3A_305 : i32
      %sign3A_307 = arith.extui %sign3A_306 : i1 to i32
      %sign3A_308 = arith.subi %sign3A_304, %sign3A_307 : i32
      %sign3A_309 = arith.constant 0 : i32
      %sign3A_310 = arith.cmpi sgt, %jit3A_300, %sign3A_309 : i32
      %sign3A_311 = arith.extui %sign3A_310 : i1 to i32
      %sign3A_312 = arith.constant 0 : i32
      %sign3A_313 = arith.cmpi slt, %jit3A_300, %sign3A_312 : i32
      %sign3A_314 = arith.extui %sign3A_313 : i1 to i32
      %sign3A_315 = arith.subi %sign3A_311, %sign3A_314 : i32
      %ne3A_316 = arith.cmpi ne, %sign3A_308, %sign3A_315 : i32
      %rem3A_317 = arith.remsi %add3A_291, %jit3A_300 : i32
      %ne3A_318 = arith.constant 0 : i32
      %ne3A_319 = arith.cmpi ne, %rem3A_317, %ne3A_318 : i32
      %and3A_320 = arith.andi %ne3A_316, %ne3A_319 : i1
      %sub3A_321 = arith.constant 1 : i32
      %sub3A_322 = arith.subi %div3A_301, %sub3A_321 : i32
      %select_n3A_323 = arith.select %and3A_320, %sub3A_322, %div3A_301 : i32
      %add3A_324 = arith.addi %mul3A_299, %select_n3A_323 : i32
      %mul3A_325 = arith.constant 4096 : i32
      %mul3A_326 = arith.muli %add3A_324, %mul3A_325 : i32
      %dma_start3A_327 = arith.constant 0 : i32
      %dma_start3A_328 = tpu.memref_slice %arg2[%mul3A_326, %dma_start3A_327] : memref<524288x128xf32, #tpu.memory_space<hbm>> -> memref<4096x128xf32, #tpu.memory_space<hbm>>
      %dma_start3A_329 = arith.constant 0 : i32
      %dma_start3A_330 = arith.constant 0 : i32
      %dma_start3A_331 = tpu.memref_slice %dma_start3A_328[%dma_start3A_329, %dma_start3A_330] : memref<4096x128xf32, #tpu.memory_space<hbm>> -> memref<4096x128xf32, #tpu.memory_space<hbm>>
      tpu.enqueue_indirect_dma source(%dma_start3A_331 : memref<4096x128xf32, #tpu.memory_space<hbm>>) target(%arg11 : memref<128x128xf32, #tpu.memory_space<vmem>>) offsets(%arg7 : memref<128xi32, #tpu.memory_space<vmem>>) semaphore(%arg15 : memref<!tpu.dma_semaphore, #tpu.memory_space<semaphore_mem>>)
      %dma_wait3A_332 = arith.constant 0 : i32
      %dma_wait3A_333 = arith.constant 0 : i32
      %dma_wait3A_334 = tpu.memref_slice %arg2[%dma_wait3A_332, %dma_wait3A_333] : memref<524288x128xf32, #tpu.memory_space<hbm>> -> memref<4096x128xf32, #tpu.memory_space<hbm>>
      %dma_wait3A_335 = arith.constant 0 : i32
      %dma_wait3A_336 = arith.constant 0 : i32
      %dma_wait3A_337 = tpu.memref_slice %dma_wait3A_334[%dma_wait3A_335, %dma_wait3A_336] : memref<4096x128xf32, #tpu.memory_space<hbm>> -> memref<4096x128xf32, #tpu.memory_space<hbm>>
      tpu.wait_indirect_dma semaphore(%arg13 : memref<!tpu.dma_semaphore, #tpu.memory_space<semaphore_mem>>) src(%dma_wait3A_337 : memref<4096x128xf32, #tpu.memory_space<hbm>>) dst(%arg9 : memref<128x128xf32, #tpu.memory_space<vmem>>)
      %sub3A_338 = arith.constant 2 : i32
      %sub3A_339 = arith.subi %add3A_291, %sub3A_338 : i32
      %mul3A_340 = arith.constant 128 : i32
      %mul3A_341 = arith.muli %sub3A_339, %mul3A_340 : i32
      %add3A_342 = arith.addi %mul3A_2, %mul3A_341 : i32
      %dma_start3A_343 = arith.constant 0 : i32
      %dma_start3A_344 = tpu.memref_slice %arg4[%add3A_342, %dma_start3A_343] : memref<262144x128xf32, #tpu.memory_space<hbm>> -> memref<128x128xf32, #tpu.memory_space<hbm>>
      %dma_start3A_345 = arith.constant 0 : i32
      %dma_start3A_346 = tpu.memref_slice %arg4[%add3A_342, %dma_start3A_345] : memref<262144x128xf32, #tpu.memory_space<hbm>> -> memref<128x128xf32, #tpu.memory_space<hbm>>
      tpu.enqueue_dma source(%arg9 : memref<128x128xf32, #tpu.memory_space<vmem>>) target(%dma_start3A_346 : memref<128x128xf32, #tpu.memory_space<hbm>>) target_semaphore(%arg17 : memref<!tpu.dma_semaphore, #tpu.memory_space<semaphore_mem>>)
      %sub3A_347 = arith.constant 2 : i32
      %sub3A_348 = arith.subi %add3A_291, %sub3A_347 : i32
      %add3A_349 = arith.constant 4 : i32
      %add3A_350 = arith.addi %sub3A_348, %add3A_349 : i32
      %min3A_351 = arith.constant 63 : i32
      %min3A_352 = arith.minsi %add3A_350, %min3A_351 : i32
      %mul3A_353 = arith.constant 128 : i32
      %mul3A_354 = arith.muli %min3A_352, %mul3A_353 : i32
      %add3A_355 = arith.addi %mul3A_2, %mul3A_354 : i32
      %dma_start3A_356 = tpu.memref_slice %arg3[%add3A_355] : memref<262144xi32, #tpu.memory_space<hbm>> -> memref<128xi32, #tpu.memory_space<hbm>>
      %dma_start3A_357 = tpu.memref_slice %arg3[%add3A_355] : memref<262144xi32, #tpu.memory_space<hbm>> -> memref<128xi32, #tpu.memory_space<hbm>>
      tpu.enqueue_dma source(%dma_start3A_357 : memref<128xi32, #tpu.memory_space<hbm>>) target(%arg5 : memref<128xi32, #tpu.memory_space<vmem>>) target_semaphore(%arg21 : memref<!tpu.dma_semaphore, #tpu.memory_space<semaphore_mem>>)
      %add3A_358 = arith.constant 3 : i32
      %add3A_359 = arith.addi %add3A_161, %add3A_358 : i32
      %dma_wait3A_360 = tpu.memref_slice %arg3[%mul3A_2] : memref<262144xi32, #tpu.memory_space<hbm>> -> memref<128xi32, #tpu.memory_space<hbm>>
      %dma_wait3A_361 = tpu.memref_slice %arg3[%mul3A_2] : memref<262144xi32, #tpu.memory_space<hbm>> -> memref<128xi32, #tpu.memory_space<hbm>>
      tpu.wait_dma2 semaphore(%arg24 : memref<!tpu.dma_semaphore, #tpu.memory_space<semaphore_mem>>) src(%dma_wait3A_361 : memref<128xi32, #tpu.memory_space<hbm>>) dst(%arg8 : memref<128xi32, #tpu.memory_space<vmem>>)
      %dma_wait3A_362 = arith.constant 0 : i32
      %dma_wait3A_363 = tpu.memref_slice %arg4[%mul3A_2, %dma_wait3A_362] : memref<262144x128xf32, #tpu.memory_space<hbm>> -> memref<128x128xf32, #tpu.memory_space<hbm>>
      %dma_wait3A_364 = arith.constant 0 : i32
      %dma_wait3A_365 = tpu.memref_slice %arg4[%mul3A_2, %dma_wait3A_364] : memref<262144x128xf32, #tpu.memory_space<hbm>> -> memref<128x128xf32, #tpu.memory_space<hbm>>
      tpu.wait_dma2 semaphore(%arg20 : memref<!tpu.dma_semaphore, #tpu.memory_space<semaphore_mem>>) src(%arg12 : memref<128x128xf32, #tpu.memory_space<vmem>>) dst(%dma_wait3A_365 : memref<128x128xf32, #tpu.memory_space<hbm>>)
      %mul3A_366 = arith.constant 4 : i32
      %mul3A_367 = arith.muli %add3A, %mul3A_366 : i32
      %jit3A_368 = arith.constant 16 : i32
      %div3A_369 = arith.divsi %add3A_359, %jit3A_368 : i32
      %sign3A_370 = arith.constant 0 : i32
      %sign3A_371 = arith.cmpi sgt, %add3A_359, %sign3A_370 : i32
      %sign3A_372 = arith.extui %sign3A_371 : i1 to i32
      %sign3A_373 = arith.constant 0 : i32
      %sign3A_374 = arith.cmpi slt, %add3A_359, %sign3A_373 : i32
      %sign3A_375 = arith.extui %sign3A_374 : i1 to i32
      %sign3A_376 = arith.subi %sign3A_372, %sign3A_375 : i32
      %sign3A_377 = arith.constant 0 : i32
      %sign3A_378 = arith.cmpi sgt, %jit3A_368, %sign3A_377 : i32
      %sign3A_379 = arith.extui %sign3A_378 : i1 to i32
      %sign3A_380 = arith.constant 0 : i32
      %sign3A_381 = arith.cmpi slt, %jit3A_368, %sign3A_380 : i32
      %sign3A_382 = arith.extui %sign3A_381 : i1 to i32
      %sign3A_383 = arith.subi %sign3A_379, %sign3A_382 : i32
      %ne3A_384 = arith.cmpi ne, %sign3A_376, %sign3A_383 : i32
      %rem3A_385 = arith.remsi %add3A_359, %jit3A_368 : i32
      %ne3A_386 = arith.constant 0 : i32
      %ne3A_387 = arith.cmpi ne, %rem3A_385, %ne3A_386 : i32
      %and3A_388 = arith.andi %ne3A_384, %ne3A_387 : i1
      %sub3A_389 = arith.constant 1 : i32
      %sub3A_390 = arith.subi %div3A_369, %sub3A_389 : i32
      %select_n3A_391 = arith.select %and3A_388, %sub3A_390, %div3A_369 : i32
      %add3A_392 = arith.addi %mul3A_367, %select_n3A_391 : i32
      %mul3A_393 = arith.constant 4096 : i32
      %mul3A_394 = arith.muli %add3A_392, %mul3A_393 : i32
      %dma_start3A_395 = arith.constant 0 : i32
      %dma_start3A_396 = tpu.memref_slice %arg2[%mul3A_394, %dma_start3A_395] : memref<524288x128xf32, #tpu.memory_space<hbm>> -> memref<4096x128xf32, #tpu.memory_space<hbm>>
      %dma_start3A_397 = arith.constant 0 : i32
      %dma_start3A_398 = arith.constant 0 : i32
      %dma_start3A_399 = tpu.memref_slice %dma_start3A_396[%dma_start3A_397, %dma_start3A_398] : memref<4096x128xf32, #tpu.memory_space<hbm>> -> memref<4096x128xf32, #tpu.memory_space<hbm>>
      tpu.enqueue_indirect_dma source(%dma_start3A_399 : memref<4096x128xf32, #tpu.memory_space<hbm>>) target(%arg12 : memref<128x128xf32, #tpu.memory_space<vmem>>) offsets(%arg8 : memref<128xi32, #tpu.memory_space<vmem>>) semaphore(%arg16 : memref<!tpu.dma_semaphore, #tpu.memory_space<semaphore_mem>>)
      %dma_wait3A_400 = arith.constant 0 : i32
      %dma_wait3A_401 = arith.constant 0 : i32
      %dma_wait3A_402 = tpu.memref_slice %arg2[%dma_wait3A_400, %dma_wait3A_401] : memref<524288x128xf32, #tpu.memory_space<hbm>> -> memref<4096x128xf32, #tpu.memory_space<hbm>>
      %dma_wait3A_403 = arith.constant 0 : i32
      %dma_wait3A_404 = arith.constant 0 : i32
      %dma_wait3A_405 = tpu.memref_slice %dma_wait3A_402[%dma_wait3A_403, %dma_wait3A_404] : memref<4096x128xf32, #tpu.memory_space<hbm>> -> memref<4096x128xf32, #tpu.memory_space<hbm>>
      tpu.wait_indirect_dma semaphore(%arg14 : memref<!tpu.dma_semaphore, #tpu.memory_space<semaphore_mem>>) src(%dma_wait3A_405 : memref<4096x128xf32, #tpu.memory_space<hbm>>) dst(%arg10 : memref<128x128xf32, #tpu.memory_space<vmem>>)
      %sub3A_406 = arith.constant 2 : i32
      %sub3A_407 = arith.subi %add3A_359, %sub3A_406 : i32
      %mul3A_408 = arith.constant 128 : i32
      %mul3A_409 = arith.muli %sub3A_407, %mul3A_408 : i32
      %add3A_410 = arith.addi %mul3A_2, %mul3A_409 : i32
      %dma_start3A_411 = arith.constant 0 : i32
      %dma_start3A_412 = tpu.memref_slice %arg4[%add3A_410, %dma_start3A_411] : memref<262144x128xf32, #tpu.memory_space<hbm>> -> memref<128x128xf32, #tpu.memory_space<hbm>>
      %dma_start3A_413 = arith.constant 0 : i32
      %dma_start3A_414 = tpu.memref_slice %arg4[%add3A_410, %dma_start3A_413] : memref<262144x128xf32, #tpu.memory_space<hbm>> -> memref<128x128xf32, #tpu.memory_space<hbm>>
      tpu.enqueue_dma source(%arg10 : memref<128x128xf32, #tpu.memory_space<vmem>>) target(%dma_start3A_414 : memref<128x128xf32, #tpu.memory_space<hbm>>) target_semaphore(%arg18 : memref<!tpu.dma_semaphore, #tpu.memory_space<semaphore_mem>>)
      %sub3A_415 = arith.constant 2 : i32
      %sub3A_416 = arith.subi %add3A_359, %sub3A_415 : i32
      %add3A_417 = arith.constant 4 : i32
      %add3A_418 = arith.addi %sub3A_416, %add3A_417 : i32
      %min3A_419 = arith.constant 63 : i32
      %min3A_420 = arith.minsi %add3A_418, %min3A_419 : i32
      %mul3A_421 = arith.constant 128 : i32
      %mul3A_422 = arith.muli %min3A_420, %mul3A_421 : i32
      %add3A_423 = arith.addi %mul3A_2, %mul3A_422 : i32
      %dma_start3A_424 = tpu.memref_slice %arg3[%add3A_423] : memref<262144xi32, #tpu.memory_space<hbm>> -> memref<128xi32, #tpu.memory_space<hbm>>
      %dma_start3A_425 = tpu.memref_slice %arg3[%add3A_423] : memref<262144xi32, #tpu.memory_space<hbm>> -> memref<128xi32, #tpu.memory_space<hbm>>
      tpu.enqueue_dma source(%dma_start3A_425 : memref<128xi32, #tpu.memory_space<hbm>>) target(%arg6 : memref<128xi32, #tpu.memory_space<vmem>>) target_semaphore(%arg22 : memref<!tpu.dma_semaphore, #tpu.memory_space<semaphore_mem>>)
    }
    %scan3A_112 = arith.constant 15 : i32
    %dma_wait3A_113 = arith.constant 0 : i32
    %dma_wait3A_114 = arith.constant 0 : i32
    %dma_wait3A_115 = tpu.memref_slice %arg2[%dma_wait3A_113, %dma_wait3A_114] : memref<524288x128xf32, #tpu.memory_space<hbm>> -> memref<4096x128xf32, #tpu.memory_space<hbm>>
    %dma_wait3A_116 = arith.constant 0 : i32
    %dma_wait3A_117 = arith.constant 0 : i32
    %dma_wait3A_118 = tpu.memref_slice %dma_wait3A_115[%dma_wait3A_116, %dma_wait3A_117] : memref<4096x128xf32, #tpu.memory_space<hbm>> -> memref<4096x128xf32, #tpu.memory_space<hbm>>
    tpu.wait_indirect_dma semaphore(%arg15 : memref<!tpu.dma_semaphore, #tpu.memory_space<semaphore_mem>>) src(%dma_wait3A_118 : memref<4096x128xf32, #tpu.memory_space<hbm>>) dst(%arg11 : memref<128x128xf32, #tpu.memory_space<vmem>>)
    %add3A_119 = arith.constant 7936 : i32
    %add3A_120 = arith.addi %mul3A_2, %add3A_119 : i32
    %dma_start3A_121 = arith.constant 0 : i32
    %dma_start3A_122 = tpu.memref_slice %arg4[%add3A_120, %dma_start3A_121] : memref<262144x128xf32, #tpu.memory_space<hbm>> -> memref<128x128xf32, #tpu.memory_space<hbm>>
    %dma_start3A_123 = arith.constant 0 : i32
    %dma_start3A_124 = tpu.memref_slice %arg4[%add3A_120, %dma_start3A_123] : memref<262144x128xf32, #tpu.memory_space<hbm>> -> memref<128x128xf32, #tpu.memory_space<hbm>>
    tpu.enqueue_dma source(%arg11 : memref<128x128xf32, #tpu.memory_space<vmem>>) target(%dma_start3A_124 : memref<128x128xf32, #tpu.memory_space<hbm>>) target_semaphore(%arg19 : memref<!tpu.dma_semaphore, #tpu.memory_space<semaphore_mem>>)
    %dma_wait3A_125 = arith.constant 0 : i32
    %dma_wait3A_126 = arith.constant 0 : i32
    %dma_wait3A_127 = tpu.memref_slice %arg2[%dma_wait3A_125, %dma_wait3A_126] : memref<524288x128xf32, #tpu.memory_space<hbm>> -> memref<4096x128xf32, #tpu.memory_space<hbm>>
    %dma_wait3A_128 = arith.constant 0 : i32
    %dma_wait3A_129 = arith.constant 0 : i32
    %dma_wait3A_130 = tpu.memref_slice %dma_wait3A_127[%dma_wait3A_128, %dma_wait3A_129] : memref<4096x128xf32, #tpu.memory_space<hbm>> -> memref<4096x128xf32, #tpu.memory_space<hbm>>
    tpu.wait_indirect_dma semaphore(%arg16 : memref<!tpu.dma_semaphore, #tpu.memory_space<semaphore_mem>>) src(%dma_wait3A_130 : memref<4096x128xf32, #tpu.memory_space<hbm>>) dst(%arg12 : memref<128x128xf32, #tpu.memory_space<vmem>>)
    %add3A_131 = arith.constant 8064 : i32
    %add3A_132 = arith.addi %mul3A_2, %add3A_131 : i32
    %dma_start3A_133 = arith.constant 0 : i32
    %dma_start3A_134 = tpu.memref_slice %arg4[%add3A_132, %dma_start3A_133] : memref<262144x128xf32, #tpu.memory_space<hbm>> -> memref<128x128xf32, #tpu.memory_space<hbm>>
    %dma_start3A_135 = arith.constant 0 : i32
    %dma_start3A_136 = tpu.memref_slice %arg4[%add3A_132, %dma_start3A_135] : memref<262144x128xf32, #tpu.memory_space<hbm>> -> memref<128x128xf32, #tpu.memory_space<hbm>>
    tpu.enqueue_dma source(%arg12 : memref<128x128xf32, #tpu.memory_space<vmem>>) target(%dma_start3A_136 : memref<128x128xf32, #tpu.memory_space<hbm>>) target_semaphore(%arg20 : memref<!tpu.dma_semaphore, #tpu.memory_space<semaphore_mem>>)
    %dma_wait3A_137 = tpu.memref_slice %arg3[%mul3A_2] : memref<262144xi32, #tpu.memory_space<hbm>> -> memref<128xi32, #tpu.memory_space<hbm>>
    %dma_wait3A_138 = tpu.memref_slice %arg3[%mul3A_2] : memref<262144xi32, #tpu.memory_space<hbm>> -> memref<128xi32, #tpu.memory_space<hbm>>
    tpu.wait_dma2 semaphore(%arg21 : memref<!tpu.dma_semaphore, #tpu.memory_space<semaphore_mem>>) src(%dma_wait3A_138 : memref<128xi32, #tpu.memory_space<hbm>>) dst(%arg5 : memref<128xi32, #tpu.memory_space<vmem>>)
    %dma_wait3A_139 = tpu.memref_slice %arg3[%mul3A_2] : memref<262144xi32, #tpu.memory_space<hbm>> -> memref<128xi32, #tpu.memory_space<hbm>>
    %dma_wait3A_140 = tpu.memref_slice %arg3[%mul3A_2] : memref<262144xi32, #tpu.memory_space<hbm>> -> memref<128xi32, #tpu.memory_space<hbm>>
    tpu.wait_dma2 semaphore(%arg22 : memref<!tpu.dma_semaphore, #tpu.memory_space<semaphore_mem>>) src(%dma_wait3A_140 : memref<128xi32, #tpu.memory_space<hbm>>) dst(%arg6 : memref<128xi32, #tpu.memory_space<vmem>>)
    %dma_wait3A_141 = arith.constant 0 : i32
    %dma_wait3A_142 = tpu.memref_slice %arg4[%mul3A_2, %dma_wait3A_141] : memref<262144x128xf32, #tpu.memory_space<hbm>> -> memref<128x128xf32, #tpu.memory_space<hbm>>
    %dma_wait3A_143 = arith.constant 0 : i32
    %dma_wait3A_144 = tpu.memref_slice %arg4[%mul3A_2, %dma_wait3A_143] : memref<262144x128xf32, #tpu.memory_space<hbm>> -> memref<128x128xf32, #tpu.memory_space<hbm>>
    tpu.wait_dma2 semaphore(%arg17 : memref<!tpu.dma_semaphore, #tpu.memory_space<semaphore_mem>>) src(%arg9 : memref<128x128xf32, #tpu.memory_space<vmem>>) dst(%dma_wait3A_144 : memref<128x128xf32, #tpu.memory_space<hbm>>)
    %dma_wait3A_145 = arith.constant 0 : i32
    %dma_wait3A_146 = tpu.memref_slice %arg4[%mul3A_2, %dma_wait3A_145] : memref<262144x128xf32, #tpu.memory_space<hbm>> -> memref<128x128xf32, #tpu.memory_space<hbm>>
    %dma_wait3A_147 = arith.constant 0 : i32
    %dma_wait3A_148 = tpu.memref_slice %arg4[%mul3A_2, %dma_wait3A_147] : memref<262144x128xf32, #tpu.memory_space<hbm>> -> memref<128x128xf32, #tpu.memory_space<hbm>>
    tpu.wait_dma2 semaphore(%arg18 : memref<!tpu.dma_semaphore, #tpu.memory_space<semaphore_mem>>) src(%arg10 : memref<128x128xf32, #tpu.memory_space<vmem>>) dst(%dma_wait3A_148 : memref<128x128xf32, #tpu.memory_space<hbm>>)
    %dma_wait3A_149 = arith.constant 0 : i32
    %dma_wait3A_150 = tpu.memref_slice %arg4[%mul3A_2, %dma_wait3A_149] : memref<262144x128xf32, #tpu.memory_space<hbm>> -> memref<128x128xf32, #tpu.memory_space<hbm>>
    %dma_wait3A_151 = arith.constant 0 : i32
    %dma_wait3A_152 = tpu.memref_slice %arg4[%mul3A_2, %dma_wait3A_151] : memref<262144x128xf32, #tpu.memory_space<hbm>> -> memref<128x128xf32, #tpu.memory_space<hbm>>
    tpu.wait_dma2 semaphore(%arg19 : memref<!tpu.dma_semaphore, #tpu.memory_space<semaphore_mem>>) src(%arg11 : memref<128x128xf32, #tpu.memory_space<vmem>>) dst(%dma_wait3A_152 : memref<128x128xf32, #tpu.memory_space<hbm>>)
    %dma_wait3A_153 = arith.constant 0 : i32
    %dma_wait3A_154 = tpu.memref_slice %arg4[%mul3A_2, %dma_wait3A_153] : memref<262144x128xf32, #tpu.memory_space<hbm>> -> memref<128x128xf32, #tpu.memory_space<hbm>>
    %dma_wait3A_155 = arith.constant 0 : i32
    %dma_wait3A_156 = tpu.memref_slice %arg4[%mul3A_2, %dma_wait3A_155] : memref<262144x128xf32, #tpu.memory_space<hbm>> -> memref<128x128xf32, #tpu.memory_space<hbm>>
    tpu.wait_dma2 semaphore(%arg20 : memref<!tpu.dma_semaphore, #tpu.memory_space<semaphore_mem>>) src(%arg12 : memref<128x128xf32, #tpu.memory_space<vmem>>) dst(%dma_wait3A_156 : memref<128x128xf32, #tpu.memory_space<hbm>>)
    return
  }
}

</mosaic_0001>

<sc_bundles>
// kernel: kernel.3.cloned.1.call-start
scs
__scs_entry_jumppad:
0x0: {  	(pc) =	sbr.rel $0x88, $3  }
0x1: {  	(tag) =	ssettag $0x0;
	lr =	simm.s32 $0x1  }
0x2: {  	[smem:$0x3F9F] =	sst lr;
	_ =	strace $0xD0000000  }
0x3: {  	_ = 	snop  }
0x4: {  	_ = 	snop  }
0x5: {  	_ = 	snop  }
0x6: {  	_ = 	snop  }
0x7: {  	_ = 	snop  }
__scs_overlays_trampoline_lowered:
0x8: {  	[smem:$0x3FAE] =	sst s0  }
0x9: {  	[smem:$0x3FAF] =	sst s1  }
0xa: {  	[smem:$0x3FB0] =	sst s2  }
0xb: {  	[smem:$0x3FB1] =	sst s3  }
0xc: {  	[smem:$0x3FB2] =	sst s4  }
0xd: {  	[smem:$0x3FB3] =	sst s5  }
0xe: {  	[smem:$0x3FB4] =	sst s6  }
0xf: {  	[smem:$0x3FB5] =	sst s7  }
0x10: {  	[smem:$0x3FB6] =	sst s8  }
0x11: {  	[smem:$0x3FB7] =	sst s9;
	s0 =	simm.s32 @!p0 $0x0  }
0x12: {  	s1 =	sld [smem:$0x3F9D];
	s0 =	simm.s32 @p0 $0x1  }
0x13: {  	[smem:$0x3FB8] =	sst s0;
	s0 =	simm.s32 @!p1 $0x0  }
0x14: {  	s2 =	sld [smem:$0x3F9C];
	s0 =	simm.s32 @p1 $0x1  }
0x15: {  	[smem:$0x3FB9] =	sst s0;
	s0 =	simm.s32 @!p2 $0x0  }
0x16: {  	s3 =	sld [smem:$0x3FDB];
	s0 =	simm.s32 @p2 $0x1  }
0x17: {  	s4 =	simm.s32 $0x1BF5;
	[smem:$0x3FBB] =	sst s0  }
0x18: {  	s0 =	sld [smem:$0x3F9E];
	_ =	swait.ge [sflag:s4], $0x0  }
0x19: {  	s7 =	sld [smem:$0x3F9F]  }
0x1a: {  	s8 =	sadd.s32 $0xFFFFE003, lr  }
0x1b: {  	s9 =	sadd.s32 $0xFFFFFEF7, lr;
	s5 =	simm.s32 $0xFFFFFFFF;
	p2 =	slt.u32 s8, $0xFFFFF086  }
0x1c: {  	p1 =	slt.u32 s9, $0xF7A;
	s5 =	simm.s32 @!p2 $0x0  }
0x1d: {  	s5 =	simm.s32 @p1 $0x1;
	p0 =	seq.s32 s7, s2  }
0x1e: {  	s7 =	smul.u32 @!p0 $0xF7A, s2;
	p2 =	seq.s32 @!p0 s5, $0x0  }
0x1f: {  	s9 =	smul.u32 $0xF7A, s1;
	s8 =	simm.s32 @!p0 $0x1BF5;
	p2 =	por !p2, p0  }
0x20: {  	[sflag:s8] =	ssyncset.s32 @!p0 $0xFFFFF086;
	s6 =	sadd.s32 @!p0 s3, s7;
	s7 =	simm.s32 @!p0 $0x108  }
0x21: {  	s3 =	sadd.s32 s3, s9;
	s6 =	sadd.s32 @!p0 $0x88, s6;
	s7 =	simm.s32 @p2 $0x1082  }
0x22: {  	[simem:s7], [sflag:s8] =	dma.local @!p0 [hbm:s6], $0xF7A  }
0x23: {  	s9 =	sor.u32 $0xD0000000, s2;
	s6 =	simm.s32 $0x108;
	_ =	swait.ge @!p0 [sflag:s8], $0x0  }
0x24: {  	s3 =	sadd.s32 $0x88, s3;
	s6 =	simm.s32 @!p1 $0x1082;
	[sflag:s4] =	ssyncset.s32 $0xFFFFF086  }
0x25: {  	[simem:s6], [sflag:s4] =	dma.local [hbm:s3], $0xF7A  }
0x26: {  	[smem:$0x3F9F] =	sst s1;
	(tag) =	ssettag s2;
	_ =	strace s9  }
0x27: {  	s1 =	sld [smem:$0x3FAF]  }
0x28: {  	s2 =	sld [smem:$0x3FB0]  }
0x29: {  	s4 =	sld [smem:$0x3FB2]  }
0x2a: {  	p0 =	seq.s32 s5, $0x0;
	s5 =	sld [smem:$0x3FB3]  }
0x2b: {  	s6 =	sld [smem:$0x3FB4]  }
0x2c: {  	s7 =	sld [smem:$0x3FB5]  }
0x2d: {  	s3 =	simm.s32 $0x108;
	s8 =	sld [smem:$0x3FB6]  }
0x2e: {  	s3 =	simm.s32 @!p0 $0x1082;
	s9 =	sld [smem:$0x3FB7]  }
0x2f: {  	lr =	sadd.s32 s0, s3;
	s0 =	sld [smem:$0x3FAE]  }
0x30: {  	s3 =	sld [smem:$0x3FB1]  }
0x31: {  	[smem:$0x3FBA] =	sst s10  }
0x32: {  	s10 =	sld [smem:$0x3FB8];
	_ =	sdelay $0x3  }
0x33: {  	p0 =	seq.s32 s10, $0x1;
	s10 =	sld [smem:$0x3FBA];
	_ =	sdelay $0x3  }
0x34: {  	[smem:$0x3FBA] =	sst s10  }
0x35: {  	s10 =	sld [smem:$0x3FB9];
	_ =	sdelay $0x3  }
0x36: {  	p1 =	seq.s32 s10, $0x1;
	s10 =	sld [smem:$0x3FBA];
	_ =	sdelay $0x3  }
0x37: {  	[smem:$0x3FBA] =	sst s10  }
0x38: {  	s10 =	sld [smem:$0x3FBB]  }
0x39: {  	_ = 	snop;
	(pc) =	sbr.ind lr, $3  }
0x3a: {  	_ = 	snop  }
0x3b: {  	_ = 	snop  }
0x3c: {  	p2 =	seq.s32 s10, $0x1;
	s10 =	sld [smem:$0x3FBA]  }
0x3d: {  	_ =	shalt  }
0x3e: {  	_ =	shalt  }
0x3f: {  	_ =	shalt  }
0x40: {  	_ =	shalt  }
0x41: {  	_ =	shalt  }
0x42: {  	_ =	shalt  }
0x43: {  	_ =	shalt  }
0x44: {  	_ =	shalt  }
0x45: {  	_ =	shalt  }
0x46: {  	_ =	shalt  }
0x47: {  	_ =	shalt  }
0x48: {  	_ =	shalt  }
0x49: {  	_ =	shalt  }
0x4a: {  	_ =	shalt  }
0x4b: {  	_ =	shalt  }
0x4c: {  	_ =	shalt  }
0x4d: {  	_ =	shalt  }
0x4e: {  	_ =	shalt  }
0x4f: {  	_ =	shalt  }
0x50: {  	_ =	shalt  }
0x51: {  	_ =	shalt  }
0x52: {  	_ =	shalt  }
0x53: {  	_ =	shalt  }
0x54: {  	_ =	shalt  }
0x55: {  	_ =	shalt  }
0x56: {  	_ =	shalt  }
0x57: {  	_ =	shalt  }
0x58: {  	_ =	shalt  }
0x59: {  	_ =	shalt  }
0x5a: {  	_ =	shalt  }
0x5b: {  	_ =	shalt  }
0x5c: {  	_ =	shalt  }
0x5d: {  	_ =	shalt  }
0x5e: {  	_ =	shalt  }
0x5f: {  	_ =	shalt  }
0x60: {  	_ =	shalt  }
0x61: {  	_ =	shalt  }
0x62: {  	_ =	shalt  }
0x63: {  	_ =	shalt  }
0x64: {  	_ =	shalt  }
0x65: {  	_ =	shalt  }
0x66: {  	_ =	shalt  }
0x67: {  	_ =	shalt  }
0x68: {  	_ =	shalt  }
0x69: {  	_ =	shalt  }
0x6a: {  	_ =	shalt  }
0x6b: {  	_ =	shalt  }
0x6c: {  	_ =	shalt  }
0x6d: {  	_ =	shalt  }
0x6e: {  	_ =	shalt  }
0x6f: {  	_ =	shalt  }
0x70: {  	_ =	shalt  }
0x71: {  	_ =	shalt  }
0x72: {  	_ =	shalt  }
0x73: {  	_ =	shalt  }
0x74: {  	_ =	shalt  }
0x75: {  	_ =	shalt  }
0x76: {  	_ =	shalt  }
0x77: {  	_ =	shalt  }
0x78: {  	_ =	shalt  }
0x79: {  	_ =	shalt  }
0x7a: {  	_ =	shalt  }
0x7b: {  	_ =	shalt  }
0x7c: {  	_ =	shalt  }
0x7d: {  	_ =	shalt  }
0x7e: {  	_ =	shalt  }
0x7f: {  	_ =	shalt  }
0x80: {  	_ =	shalt  }
0x81: {  	_ =	shalt  }
0x82: {  	_ =	shalt  }
0x83: {  	_ =	shalt  }
0x84: {  	_ =	shalt  }
0x85: {  	_ =	shalt  }
0x86: {  	_ =	shalt  }
0x87: {  	_ =	shalt  }
.Lfunc_end0:
.L_simem_size_0:
called_computation_lowered:
.L_overlay_start_0:
0x88: {  	s2 =	sld [smem:$0x3FD9]  }
0x89: {  	s3 =	sld [smem:$0x3FFE];
	_ =	sdelay $0x1  }
0x8a: {  	s1 =	srdreg.scid  }
0x8b: {  	s0 =	sand.u32 $0x1, s1  }
0x8c: {  	s18 =	sshll.u32 s0, $0xA;
	s2 =	sadd.s32 s3, s2  }
0x8d: {  	s2 =	sadd.s32 s2, s18  }
0x8e: {  	[smem:$0x3FC6] =	sst s2  }
0x8f: {  	_ = 	snop  }
0x90: {  	s2 =	sld [smem:$0x3FC9]  }
0x91: {  	s19 =	sld [smem:$0x3FC8]  }
0x92: {  	s4 =	sld [smem:$0x3FD0];
	(tm) =	ssettm $0x1  }
0x93: {  	s5 =	sld [smem:$0x3FFB];
	_ =	sdelay $0x3  }
0x94: {  	_ =	strace s5  }
0x95: {  	s5 =	sld [smem:$0x3FFC];
	_ =	sdelay $0x3  }
0x96: {  	_ =	strace s5  }
0x97: {  	s5 =	sld [smem:$0x3FFD];
	_ =	sdelay $0x3  }
0x98: {  	_ =	strace s5  }
0x99: {  	_ =	strace $0x8FFFFFFF  }
0x9a: {  	s20 =	sld [smem:$0x3FDB];
	_ =	sdelay $0x1  }
0x9b: {  	s6 =	simm.s32 $_scs_section_size  }
0x9c: {  	s7 =	simm.s32 $_size__tile_overlayer_lowered;
	s8 =	simm.s32 $_tile_overlayer_lowered  }
0x9d: {  	s23 =	simm.s32 $0x1BFF;
	s22 =	sshll.u32 s8, $0x1;
	s5 =	sadd.s32 s6, s20  }
0x9e: {  	s9 =	simm.s32 $0x0;
	s21 =	sshll.u32 s7, $0x1;
	s7 =	sadd.s32 s22, s5  }
0x9f: {  	[timem:s9], [sflag:s23] =	dma.local [hbm:s7], s21  }
0xa0: {  	_ =	swait.ge [sflag:s23], s21  }
0xa1: {  	s6 =	ssub.s32 $0x0, s21;
	[sflag:s23] =	ssyncset.done $0x0  }
0xa2: {  	[sflag:s23] =	ssyncadd.s32 s6;
	_ =	sdelay $0x1  }
0xa3: {  	s24 =	simm.s32 $0x1B8B  }
0xa4: {  	_ =	swait.ge [sflag:s24], $0x1  }
0xa5: {  	[sflag:s24] =	ssyncset.done $0x0  }
0xa6: {  	s25 =	simm.s32 $0x1B8E;
	[sflag:s24] =	ssyncadd.s32 $0xFFFFFFFF  }
0xa7: {  	s26 =	simm.s32 $execute0_lowered;
	[smem:$0x3FD2] =	sst s25  }
0xa8: {  	s6 =	sshll.u32 s26, $0x1;
	_ =	strace $0x80000046;
	[dreg:$0x1] =	wrdreg $0xFFFFFFFF  }
0xa9: {  	s28 =	simm.s32 $_size_execute0_lowered;
	s5 =	sadd.s32 s5, s6;
	[dreg:$0x0] =	wrdreg $0x0  }
0xaa: {  	s6 =	sshll.u32 s28, $0x1;
	[dreg:$0x2] =	wrdreg s5  }
0xab: {  	[dreg:$0x3] =	wrdreg s6  }
0xac: {  	[dreg:$0x4] =	wrdreg $0xC0  }
0xad: {  	_ =	task [dreg:s9], $0x5FFFF  }
0xae: {  	[dreg:$0x1] =	wrdreg $0xFFFFFFFF  }
0xaf: {  	[dreg:$0x0] =	wrdreg $0x60  }
0xb0: {  	[dreg:$0x2] =	wrdreg s2  }
0xb1: {  	[dreg:$0x3] =	wrdreg s19  }
0xb2: {  	[dreg:$0x4] =	wrdreg s4  }
0xb3: {  	[dreg:$0x5] =	wrdreg $0x9  }
0xb4: {  	_ =	task.clear_ibuf [dreg:s9], $0x6FFFF;
	_ =	strace $0x90000046  }
0xb5: {  	s29 =	simm.s32 $0x9;
	_ =	strace $0x80000048  }
0xb6: {  	_ =	swait.ge [sflag:s29], $0x1  }
0xb7: {  	[sflag:s29] =	ssyncadd.s32 $0xFFFFFFFF  }
0xb8: {  	_ =	strace $0x90000048  }
0xb9: {  	_ =	sfence  }
0xba: {  	s30 =	sld [smem:$0x0];
	_ =	sdelay $0x2  }
0xbb: {  	s31 =	sshll.u32 s1, $0xD;
	s1 =	sshrl.u32 s1, $0x2  }
0xbc: {  	s3 =	sand.u32 $0x4000, s31;
	s1 =	sadd.s32 s1, s30  }
0xbd: {  	s0 =	sor.u32 s3, s0;
	s1 =	sshll.u32 s1, $0x11  }
0xbe: {  	s0 =	sor.u32 s1, s0  }
0xbf: {  	s0 =	sadd.s32 $0x8F2B, s0  }
0xc0: {  	[sflag:s0] =	ssyncadd.remote.s32 $0x1  }
0xc1: {  	_ =	sfence.sel $0xFFFF  }
0xc2: {  	[dreg:$0x0] =	wrdreg $0xFFFFFFFF;
	(pc) =	sbr.abs _section_cstart, $3  }
0xc3: {  	[dreg:$0x1] =	wrdreg $0xFFFFFFFF  }
0xc4: {  	_ =	task.clear_ibuf [dreg:s9], $0x2FFFF;
	_ =	strace $0x9FFFFFFF  }
0xc5: {  	(tm) =	ssettm $0x7FFFFFFF  }
tec
execute0_lowered:
.L_overlay_start_1:
0x0: {  	(tag) =	ssettag $0x1  }
0x1: {  	s1 =	rddreg [dreg:$0x0]  }
0x2: {  	s23 =	rddreg [dreg:$0x1]  }
0x3: {  	s0 =	rddreg [dreg:$0x2];
	s2 =	srdreg.scid  }
0x4: {  	s10 =	stileid.u32;
	s4 =	simm.s32 $0x0;
	s31 =	simm.s32 $0x1  }
0x5: {  	s29 =	simm.s32 $0xC200;
	s30 =	simm.s32 $0x200;
	s2 =	sand.u32 $0x1, s2  }
0x6: {  	s3 =	sshll.u32 s10, $0x1;
	[smem:$0x7FF] =	sst s4;
	s21 =	sshll.u32 s10, $0xE  }
0x7: {  	s24 =	sshll.u32 s10, $0x12;
	s3 =	sor.u32 s2, s3;
	_ =	strace $0x80000047  }
0x8: {  	s6 =	ssub.s32 $0x2, s2;
	s22 =	sshll.u32 s2, $0xD;
	s2 =	sshll.u32 s2, $0x11  }
0x9: {  	s5 =	sshll.u32 s3, $0xD;
	s7 =	sshll.u32 s3, $0xA;
	s9 =	sshrl.u32 s6, $0x1  }
0xa: {  	s13 =	sshll.u32 s3, $0x12;
	s14 =	sshll.u32 s3, $0x11;
	s11 =	sadd.s32 s23, s7  }
0xb: {  	s8 =	sor.u32 $0x80, s5;
	s17 =	sor.u32 $0x400, s5;
	[dreg:$0x6] =	wrdreg s11  }
0xc: {  	s6 =	ssub.s32 s6, s9;
	s5 =	sor.u32 $0x480, s5;
	[dreg:$0x4] =	wrdreg s17  }
0xd: {  	s28 =	sshrl.u32 s8, $0x3;
	s9 =	sadd.s32 $0x20, s11;
	[dreg:$0x5] =	wrdreg s5  }
0xe: {  	s12 =	sadd.s32 $0x30, s11;
	s15 =	sshll.u32 s8, $0x4;
	[dreg:$0x8] =	wrdreg s9  }
0xf: {  	s16 =	sadd.s32 $0x40, s11;
	s18 =	sadd.s32 $0x50, s11;
	[dreg:$0x9] =	wrdreg s12  }
0x10: {  	s6 =	smax.u32 s6, $0x1;
	s8 =	simm.s32 $0x3;
	[dreg:$0xc] =	wrdreg s16  }
0x11: {  	s11 =	simm.s32 $0x6;
	s7 =	sadd.s32 s23, s28;
	[dreg:$0xe] =	wrdreg s18  }
0x12: {  	s9 =	sadd.s32 s0, s14;
	s14 =	sshll.u32 s3, $0x2;
	[dreg:$0x11] =	wrdreg s6  }
0x13: {  	s3 =	sor.u32 s22, s21;
	s21 =	simm.s32 $0x80;
	s6 =	simm.s32 $0x2  }
0x14: {  	s12 =	simm.s32 $0x4;
	[dreg:$0x7] =	wrdreg s7;
	s7 =	sadd.s32 s1, s13  }
0x15: {  	s19 =	sadd.s32 $0x1F000, s9;
	[dreg:$0xb] =	wrdreg s9;
	s20 =	sadd.s32 $0x1F800, s9  }
0x16: {  	s5 =	sor.u32 $0x300, s3;
	s3 =	sor.u32 $0x380, s3;
	[dreg:$0xa] =	wrdreg s7  }
0x17: {  	s13 =	simm.s32 $0x7;
	s7 =	sadd.s32 s0, s15;
	[dreg:$0xf] =	wrdreg s19  }
0x18: {  	[dreg:$0x10] =	wrdreg s20;
	s0 =	sadd.s32 s24, s0;
	s25 =	sshrl.u32 s5, $0x3  }
0x19: {  	s28 =	sshrl.u32 s3, $0x3;
	s24 =	simm.s32 $0xB;
	s15 =	simm.s32 $0x8  }
0x1a: {  	[dreg:$0xd] =	wrdreg s7;
	s0 =	sadd.s32 s2, s0;
	s26 =	sadd.s32 s25, s23  }
0x1b: {  	s7 =	simm.s32 $0x5;
	s0 =	sadd.s32 $0x1800, s0;
	[dreg:$0x13] =	wrdreg s26  }
0x1c: {  	s2 =	simm.s32 $0x0;
	[dreg:$0x12] =	wrdreg s0;
	s0 =	sadd.s32 s28, s23  }
0x1d: {  	s26 =	simm.s32 $0x8200;
	[dreg:$0x14] =	wrdreg s0;
	s0 =	simm.s32 $0xC  }
.LBB2_1:
0x1e: {  	[dreg:$0x15] =	wrdreg s2  }
0x1f: {  	s3 =	rddreg [dreg:$0x6]  }
0x20: {  	[tilespmem:s4], [sflag:$0x9] =	stream.linear.gather [hbm4b:s3+s4], $0x80, $0x38;
	[tilespmem:$0x10200] =	vst v63  }
0x21: {  	s22 =	rddreg [dreg:$0x7]  }
0x22: {  	[tilespmem:s21], [sflag:$0xA] =	stream.linear.gather [hbm4b:s22+s4], $0x80, $0x38;
	[tilespmem:$0x10200] =	vst v63  }
0x23: {  	s25 =	rddreg [dreg:$0x8];
	s9 =	simm.s32 $0x100  }
0x24: {  	[tilespmem:s9], [sflag:$0xB] =	stream.linear.gather [hbm4b:s25+s4], $0x80, $0x38;
	[tilespmem:$0x10200] =	vst v63  }
0x25: {  	s28 =	rddreg [dreg:$0x9];
	s10 =	simm.s32 $0x180;
	s17 =	simm.s32 $0x9  }
0x26: {  	[tilespmem:s10], [sflag:$0xC] =	stream.linear.gather [hbm4b:s28+s4], $0x80, $0x38;
	[tilespmem:$0x10200] =	vst v63  }
0x27: {  	_ =	swait.ge [sflag:s17], $0x80  }
0x28: {  	s18 =	simm.s32 $0x200;
	[sflag:s17] =	ssyncset.done $0x0  }
0x29: {  	s20 =	simm.s32 $0xA;
	s2 =	rddreg [dreg:$0xa];
	[sflag:s17] =	ssyncadd.s32 $0xFFFFFF80  }
0x2a: {  	[tilespmem:s18], [sflag:$0x1] =	stream.indirect.gather [hbm4b:s2+s21], $0x80, s4, s21, $0xb8;
	[tilespmem:$0x10200] =	vst v63  }
0x2b: {  	_ =	swait.ge [sflag:s20], $0x80  }
0x2c: {  	[sflag:s20] =	ssyncset.done $0x0  }
0x2d: {  	s16 =	simm.s32 $0x4200;
	[sflag:s20] =	ssyncadd.s32 $0xFFFFFF80  }
0x2e: {  	[tilespmem:s16], [sflag:$0x2] =	stream.indirect.gather [hbm4b:s2+s21], $0x80, s21, s21, $0xb8;
	[tilespmem:$0x10200] =	vst v63  }
0x2f: {  	_ =	swait.ge [sflag:s24], $0x80  }
0x30: {  	[sflag:s24] =	ssyncset.done $0x0  }
0x31: {  	s19 =	simm.s32 $0x8200;
	[sflag:s24] =	ssyncadd.s32 $0xFFFFFF80  }
0x32: {  	[tilespmem:s19], [sflag:$0x3] =	stream.indirect.gather [hbm4b:s2+s21], $0x80, s9, s21, $0xb8;
	[tilespmem:$0x10200] =	vst v63  }
0x33: {  	_ =	swait.ge [sflag:s31], $0x4000  }
0x34: {  	[sflag:s31] =	ssyncset.done $0x0  }
0x35: {  	s5 =	rddreg [dreg:$0xb];
	[sflag:s31] =	ssyncadd.s32 $0xFFFFC000  }
0x36: {  	[hbm4b:s5+s4] =	stream.linear.scatter [tilespmem:s18], [sflag:$0x5], $0x4000, $0x38;
	[tilespmem:$0x10200] =	vst v63  }
0x37: {  	s22 =	rddreg [dreg:$0xc]  }
0x38: {  	[tilespmem:s4], [sflag:$0x9] =	stream.linear.gather [hbm4b:s22+s4], $0x80, $0x38;
	[tilespmem:$0x10200] =	vst v63  }
0x39: {  	_ =	swait.ge [sflag:s0], $0x80  }
0x3a: {  	[sflag:s0] =	ssyncset.done $0x0  }
0x3b: {  	s22 =	simm.s32 $0xC200;
	[sflag:s0] =	ssyncadd.s32 $0xFFFFFF80  }
0x3c: {  	[tilespmem:s22], [sflag:$0x4] =	stream.indirect.gather [hbm4b:s2+s21], $0x80, s10, s21, $0xb8;
	[tilespmem:$0x10200] =	vst v63  }
0x3d: {  	_ =	swait.ge [sflag:s6], $0x4000  }
0x3e: {  	[sflag:s6] =	ssyncset.done $0x0  }
0x3f: {  	s25 =	rddreg [dreg:$0xd];
	[sflag:s6] =	ssyncadd.s32 $0xFFFFC000  }
0x40: {  	[hbm4b:s25+s4] =	stream.linear.scatter [tilespmem:s16], [sflag:$0x6], $0x4000, $0x38;
	[tilespmem:$0x10200] =	vst v63  }
0x41: {  	s28 =	rddreg [dreg:$0xe]  }
0x42: {  	[tilespmem:s21], [sflag:$0xA] =	stream.linear.gather [hbm4b:s28+s4], $0x80, $0x38;
	[tilespmem:$0x10200] =	vst v63  }
0x43: {  	_ =	swait.ge [sflag:s17], $0x80  }
0x44: {  	[sflag:s17] =	ssyncset.done $0x0  }
0x45: {  	s5 =	sadd.s32 $0x0, s14;
	[sflag:s17] =	ssyncadd.s32 $0xFFFFFF80  }
0x46: {  	s3 =	sshll.u32 s5, $0x10;
	_ =	swait.ge [sflag:s7], $0x4000  }
0x47: {  	s3 =	sand.u32 $0x1FFF0000, s3;
	[sflag:s7] =	ssyncset.done $0x0  }
0x48: {  	s3 =	sadd.s32 s1, s3;
	[sflag:s7] =	ssyncadd.s32 $0xFFFFC000  }
0x49: {  	[tilespmem:s18], [sflag:$0x1] =	stream.indirect.gather [hbm4b:s3+s21], $0x80, s4, s21, $0xb8;
	[tilespmem:$0x10200] =	vst v63  }
0x4a: {  	_ =	swait.ge [sflag:s8], $0x4000  }
0x4b: {  	[sflag:s8] =	ssyncset.done $0x0;
	s18 =	rddreg [dreg:$0x12]  }
0x4c: {  	[sflag:s8] =	ssyncadd.s32 $0xFFFFC000;
	s17 =	sadd.s32 $0xFFFFF800, s18  }
0x4d: {  	[hbm4b:s17+s4] =	stream.linear.scatter [tilespmem:s19], [sflag:$0x7], $0x4000, $0x38;
	[tilespmem:$0x10200] =	vst v63  }
0x4e: {  	s19 =	rddreg [dreg:$0x13]  }
0x4f: {  	[tilespmem:s9], [sflag:$0xB] =	stream.linear.gather [hbm4b:s19+s4], $0x80, $0x38;
	[tilespmem:$0x10200] =	vst v63  }
0x50: {  	_ =	swait.ge [sflag:s20], $0x80  }
0x51: {  	[sflag:s20] =	ssyncset.done $0x0  }
0x52: {  	[sflag:s20] =	ssyncadd.s32 $0xFFFFFF80;
	s20 =	sadd.s32 $0x0, s14  }
0x53: {  	_ =	swait.ge [sflag:s11], $0x4000;
	s3 =	sshll.u32 s20, $0x10  }
0x54: {  	[sflag:s11] =	ssyncset.done $0x0;
	s3 =	sand.u32 $0x1FFF0000, s3  }
0x55: {  	[sflag:s11] =	ssyncadd.s32 $0xFFFFC000;
	s3 =	sadd.s32 s1, s3  }
0x56: {  	[tilespmem:s16], [sflag:$0x2] =	stream.indirect.gather [hbm4b:s3+s21], $0x80, s21, s21, $0xb8;
	[tilespmem:$0x10200] =	vst v63  }
0x57: {  	_ =	swait.ge [sflag:s12], $0x4000  }
0x58: {  	[sflag:s12] =	ssyncset.done $0x0  }
0x59: {  	[sflag:s12] =	ssyncadd.s32 $0xFFFFC000  }
0x5a: {  	[hbm4b:s18+s4] =	stream.linear.scatter [tilespmem:s22], [sflag:$0x8], $0x4000, $0x38;
	[tilespmem:$0x10200] =	vst v63  }
0x5b: {  	s20 =	rddreg [dreg:$0x14]  }
0x5c: {  	[tilespmem:s10], [sflag:$0xC] =	stream.linear.gather [hbm4b:s20+s4], $0x80, $0x38;
	[tilespmem:$0x10200] =	vst v63  }
0x5d: {  	s25 =	smin.u32 s4, $0x37;
	s28 =	sadd.s32 $0x0, s14;
	_ =	swait.ge [sflag:s24], $0x80  }
0x5e: {  	s17 =	simm.s32 $0x4;
	s5 =	sadd.s32 $0x40, s19;
	[sflag:s24] =	ssyncset.done $0x0  }
0x5f: {  	s19 =	sadd.s32 $0x2000, s18;
	s3 =	sshll.u32 s25, $0x7;
	[sflag:s24] =	ssyncadd.s32 $0xFFFFFF80  }
0x60: {  	s16 =	sshll.u32 s28, $0x10;
	s10 =	simm.s32 $0x0;
	_ =	swait.ge [sflag:s13], $0x4000  }
.LBB2_2:
0x61: {  	[sflag:s13] =	ssyncset.done $0x0;
	s22 =	sand.u32 $0x1FFF0000, s16  }
0x62: {  	s9 =	sadd.s32 $0x4, s17;
	s25 =	smov.u32 s23;
	s28 =	simm.s32 $0x100  }
0x63: {  	s24 =	sshrl.u32 s9, $0x4;
	[sflag:s13] =	ssyncadd.s32 $0xFFFFC000;
	s22 =	sadd.s32 s1, s22  }
0x64: {  	[tilespmem:s26], [sflag:$0x3] =	stream.indirect.gather [hbm4b:s22+s21], $0x80, s28, s21, $0xb8;
	[tilespmem:$0x10200] =	vst v63  }
0x65: {  	s2 =	sadd.s32 s14, s24;
	s24 =	sadd.s32 $0x800, s18;
	_ =	swait.ge [sflag:s31], $0x4000  }
0x66: {  	s23 =	sshll.u32 s2, $0x10;
	[sflag:s31] =	ssyncset.done $0x0;
	s22 =	rddreg [dreg:$0x4]  }
0x67: {  	s2 =	simm.s32 $0x200;
	[sflag:s31] =	ssyncadd.s32 $0xFFFFC000;
	s3 =	sadd.s32 s3, s22  }
0x68: {  	[hbm4b:s24+s4] =	stream.linear.scatter [tilespmem:s2], [sflag:$0x5], $0x4000, $0x38;
	[tilespmem:$0x10200] =	vst v63  }
0x69: {  	s3 =	sshrl.u32 s3, $0x3  }
0x6a: {  	s3 =	sadd.s32 s25, s3  }
0x6b: {  	[tilespmem:s4], [sflag:$0x9] =	stream.linear.gather [hbm4b:s3+s4], $0x80, $0x38;
	[tilespmem:$0x10200] =	vst v63  }
0x6c: {  	s24 =	sadd.s32 $0x7, s10;
	_ =	swait.ge [sflag:s0], $0x80  }
0x6d: {  	s16 =	smov.u32 s17;
	s22 =	sshrl.u32 s24, $0x4;
	[sflag:s0] =	ssyncset.done $0x0  }
0x6e: {  	p0 =	sne.s32 s17, $0x38;
	s3 =	sadd.s32 s14, s22;
	[sflag:s0] =	ssyncadd.s32 $0xFFFFFF80  }
0x6f: {  	s17 =	sand.u32 $0x1FFF0000, s23;
	s3 =	sshll.u32 s3, $0x10;
	_ =	swait.ge [sflag:s15], $0x4000  }
0x70: {  	s23 =	smov.u32 s25;
	s3 =	sand.u32 $0x1FFF0000, s3;
	[sflag:s15] =	ssyncset.done $0x0  }
0x71: {  	s25 =	simm.s32 $0x180;
	s3 =	sadd.s32 s1, s3;
	[sflag:s15] =	ssyncadd.s32 $0xFFFFC000  }
0x72: {  	[tilespmem:s29], [sflag:$0x4] =	stream.indirect.gather [hbm4b:s3+s21], $0x80, s25, s21, $0xb8;
	[tilespmem:$0x10200] =	vst v63  }
0x73: {  	s24 =	smin.u32 s10, $0x36;
	s22 =	sadd.s32 $0x1000, s18;
	_ =	swait.ge [sflag:s6], $0x4000  }
0x74: {  	s3 =	sshll.u32 s24, $0x7;
	[sflag:s6] =	ssyncset.done $0x0;
	s10 =	rddreg [dreg:$0x5]  }
0x75: {  	s24 =	simm.s32 $0x4200;
	[sflag:s6] =	ssyncadd.s32 $0xFFFFC000;
	s3 =	sadd.s32 s3, s10  }
0x76: {  	[hbm4b:s22+s4] =	stream.linear.scatter [tilespmem:s24], [sflag:$0x6], $0x4000, $0x38;
	[tilespmem:$0x10200] =	vst v63  }
0x77: {  	s3 =	sshrl.u32 s3, $0x3  }
0x78: {  	s10 =	smov.u32 s16;
	s16 =	simm.s32 $0x9;
	s3 =	sadd.s32 s23, s3  }
0x79: {  	[tilespmem:s21], [sflag:$0xA] =	stream.linear.gather [hbm4b:s3+s4], $0x80, $0x38;
	[tilespmem:$0x10200] =	vst v63  }
0x7a: {  	_ =	swait.ge [sflag:s16], $0x80  }
0x7b: {  	[sflag:s16] =	ssyncset.done $0x0  }
0x7c: {  	[sflag:s16] =	ssyncadd.s32 $0xFFFFFF80  }
0x7d: {  	_ =	swait.ge [sflag:s7], $0x4000  }
0x7e: {  	[sflag:s7] =	ssyncset.done $0x0  }
0x7f: {  	s17 =	sadd.s32 s1, s17;
	[sflag:s7] =	ssyncadd.s32 $0xFFFFC000  }
0x80: {  	[tilespmem:s2], [sflag:$0x1] =	stream.indirect.gather [hbm4b:s17+s21], $0x80, s4, s21, $0xb8;
	[tilespmem:$0x10200] =	vst v63  }
0x81: {  	_ =	swait.ge [sflag:s8], $0x4000  }
0x82: {  	[sflag:s8] =	ssyncset.done $0x0  }
0x83: {  	s22 =	sadd.s32 $0xFFFFF800, s19;
	[sflag:s8] =	ssyncadd.s32 $0xFFFFC000  }
0x84: {  	[hbm4b:s22+s4] =	stream.linear.scatter [tilespmem:s26], [sflag:$0x7], $0x4000, $0x38;
	[tilespmem:$0x10200] =	vst v63  }
0x85: {  	s16 =	simm.s32 $0xA  }
0x86: {  	[tilespmem:s28], [sflag:$0xB] =	stream.linear.gather [hbm4b:s5+s4], $0x80, $0x38;
	[tilespmem:$0x10200] =	vst v63  }
0x87: {  	s2 =	sadd.s32 $0x5, s10;
	_ =	swait.ge [sflag:s16], $0x80  }
0x88: {  	s3 =	sshrl.u32 s2, $0x4;
	[sflag:s16] =	ssyncset.done $0x0  }
0x89: {  	s3 =	sadd.s32 s14, s3;
	[sflag:s16] =	ssyncadd.s32 $0xFFFFFF80  }
0x8a: {  	s3 =	sshll.u32 s3, $0x10;
	_ =	swait.ge [sflag:s11], $0x4000  }
0x8b: {  	s3 =	sand.u32 $0x1FFF0000, s3;
	[sflag:s11] =	ssyncset.done $0x0  }
0x8c: {  	s3 =	sadd.s32 s1, s3;
	[sflag:s11] =	ssyncadd.s32 $0xFFFFC000  }
0x8d: {  	[tilespmem:s24], [sflag:$0x2] =	stream.indirect.gather [hbm4b:s3+s21], $0x80, s21, s21, $0xb8;
	[tilespmem:$0x10200] =	vst v63  }
0x8e: {  	_ =	swait.ge [sflag:s12], $0x4000  }
0x8f: {  	[sflag:s12] =	ssyncset.done $0x0  }
0x90: {  	s20 =	sadd.s32 $0x40, s20;
	s18 =	smov.u32 s19;
	[sflag:s12] =	ssyncadd.s32 $0xFFFFC000  }
0x91: {  	[hbm4b:s19+s4] =	stream.linear.scatter [tilespmem:s29], [sflag:$0x8], $0x4000, $0x38;
	[tilespmem:$0x10200] =	vst v63  }
0x92: {  	s17 =	sadd.s32 $0x6, s10;
	s2 =	simm.s32 $0x4200;
	s22 =	simm.s32 $0x100  }
0x93: {  	[tilespmem:s25], [sflag:$0xC] =	stream.linear.gather [hbm4b:s20+s4], $0x80, $0x38;
	[tilespmem:$0x10200] =	vst v63  }
.Ltmp0:
0x94: {  	s28 =	simm.s32 $0x180;
	s24 =	simm.s32 $0xB;
	(pc) =	sbr.rel @p0 .LBB2_2-.Ltmp0, $4  }
0x95: {  	s5 =	sadd.s32 $0x40, s5;
	s16 =	smin.u32 s10, $0x37;
	_ =	swait.ge [sflag:s24], $0x80  }
0x96: {  	s3 =	sshll.u32 s16, $0x7;
	s25 =	sshrl.u32 s17, $0x4;
	[sflag:s24] =	ssyncset.done $0x0  }
0x97: {  	s19 =	sadd.s32 $0x2000, s19;
	s25 =	sadd.s32 s14, s25;
	[sflag:s24] =	ssyncadd.s32 $0xFFFFFF80  }
0x98: {  	s17 =	smov.u32 s9;
	s16 =	sshll.u32 s25, $0x10;
	_ =	swait.ge [sflag:s13], $0x4000  }
0x99: {  	[sflag:s13] =	ssyncset.done $0x0;
	s5 =	sand.u32 $0x1FFF0000, s16  }
0x9a: {  	s19 =	simm.s32 $0x8200;
	[sflag:s13] =	ssyncadd.s32 $0xFFFFC000;
	s5 =	sadd.s32 s1, s5  }
0x9b: {  	[tilespmem:s19], [sflag:$0x3] =	stream.indirect.gather [hbm4b:s5+s21], $0x80, s22, s21, $0xb8;
	[tilespmem:$0x10200] =	vst v63  }
0x9c: {  	_ =	swait.ge [sflag:s31], $0x4000  }
0x9d: {  	[sflag:s31] =	ssyncset.done $0x0;
	s20 =	rddreg [dreg:$0x4]  }
0x9e: {  	s9 =	sadd.s32 $0x800, s18;
	[sflag:s31] =	ssyncadd.s32 $0xFFFFC000;
	s3 =	sadd.s32 s3, s20  }
0x9f: {  	[hbm4b:s9+s4] =	stream.linear.scatter [tilespmem:s30], [sflag:$0x5], $0x4000, $0x38;
	[tilespmem:$0x10200] =	vst v63  }
0xa0: {  	s3 =	sshrl.u32 s3, $0x3  }
0xa1: {  	s3 =	sadd.s32 s23, s3  }
0xa2: {  	[tilespmem:s4], [sflag:$0x9] =	stream.linear.gather [hbm4b:s3+s4], $0x80, $0x38;
	[tilespmem:$0x10200] =	vst v63  }
0xa3: {  	s22 =	sadd.s32 $0x7, s10;
	_ =	swait.ge [sflag:s0], $0x80  }
0xa4: {  	s3 =	sshrl.u32 s22, $0x4;
	[sflag:s0] =	ssyncset.done $0x0  }
0xa5: {  	s3 =	sadd.s32 s14, s3;
	[sflag:s0] =	ssyncadd.s32 $0xFFFFFF80  }
0xa6: {  	s3 =	sshll.u32 s3, $0x10;
	_ =	swait.ge [sflag:s15], $0x4000  }
0xa7: {  	s3 =	sand.u32 $0x1FFF0000, s3;
	[sflag:s15] =	ssyncset.done $0x0  }
0xa8: {  	s25 =	simm.s32 $0xC200;
	s3 =	sadd.s32 s1, s3;
	[sflag:s15] =	ssyncadd.s32 $0xFFFFC000  }
0xa9: {  	[tilespmem:s25], [sflag:$0x4] =	stream.indirect.gather [hbm4b:s3+s21], $0x80, s28, s21, $0xb8;
	[tilespmem:$0x10200] =	vst v63  }
0xaa: {  	_ =	swait.ge [sflag:s6], $0x4000  }
0xab: {  	[sflag:s6] =	ssyncset.done $0x0  }
0xac: {  	s17 =	smin.u32 s10, $0x36;
	s28 =	sadd.s32 $0x1000, s18;
	[sflag:s6] =	ssyncadd.s32 $0xFFFFC000  }
0xad: {  	[hbm4b:s28+s4] =	stream.linear.scatter [tilespmem:s2], [sflag:$0x6], $0x4000, $0x38;
	[tilespmem:$0x10200] =	vst v63  }
0xae: {  	s5 =	sshll.u32 s17, $0x7;
	s2 =	rddreg [dreg:$0x5]  }
0xaf: {  	s3 =	sadd.s32 s5, s2  }
0xb0: {  	s3 =	sshrl.u32 s3, $0x3  }
0xb1: {  	s3 =	sadd.s32 s23, s3  }
0xb2: {  	[tilespmem:s21], [sflag:$0xA] =	stream.linear.gather [hbm4b:s3+s4], $0x80, $0x38;
	[tilespmem:$0x10200] =	vst v63  }
0xb3: {  	_ =	swait.ge [sflag:s8], $0x4000  }
0xb4: {  	[sflag:s8] =	ssyncset.done $0x0  }
0xb5: {  	s18 =	rddreg [dreg:$0xf];
	[sflag:s8] =	ssyncadd.s32 $0xFFFFC000  }
0xb6: {  	[hbm4b:s18+s4] =	stream.linear.scatter [tilespmem:s19], [sflag:$0x7], $0x4000, $0x38;
	[tilespmem:$0x10200] =	vst v63  }
0xb7: {  	_ =	swait.ge [sflag:s12], $0x4000  }
0xb8: {  	[sflag:s12] =	ssyncset.done $0x0  }
0xb9: {  	s20 =	simm.s32 $0x9;
	s19 =	rddreg [dreg:$0x10];
	[sflag:s12] =	ssyncadd.s32 $0xFFFFC000  }
0xba: {  	[hbm4b:s19+s4] =	stream.linear.scatter [tilespmem:s25], [sflag:$0x8], $0x4000, $0x38;
	[tilespmem:$0x10200] =	vst v63  }
0xbb: {  	_ =	swait.ge [sflag:s20], $0x80  }
0xbc: {  	[sflag:s20] =	ssyncset.done $0x0  }
0xbd: {  	s22 =	simm.s32 $0xA;
	[sflag:s20] =	ssyncadd.s32 $0xFFFFFF80  }
0xbe: {  	_ =	swait.ge [sflag:s22], $0x80  }
0xbf: {  	[sflag:s22] =	ssyncset.done $0x0  }
0xc0: {  	[sflag:s22] =	ssyncadd.s32 $0xFFFFFF80  }
0xc1: {  	_ =	swait.ge [sflag:s7], $0x4000  }
0xc2: {  	[sflag:s7] =	ssyncset.done $0x0  }
0xc3: {  	[sflag:s7] =	ssyncadd.s32 $0xFFFFC000  }
0xc4: {  	_ =	swait.ge [sflag:s11], $0x4000  }
0xc5: {  	[sflag:s11] =	ssyncset.done $0x0  }
0xc6: {  	[sflag:s11] =	ssyncadd.s32 $0xFFFFC000  }
0xc7: {  	_ =	swait.ge [sflag:s13], $0x4000  }
0xc8: {  	[sflag:s13] =	ssyncset.done $0x0  }
0xc9: {  	[sflag:s13] =	ssyncadd.s32 $0xFFFFC000  }
0xca: {  	_ =	swait.ge [sflag:s15], $0x4000  }
0xcb: {  	s25 =	rddreg [dreg:$0x15]  }
0xcc: {  	s28 =	rddreg [dreg:$0x11];
	s2 =	sadd.s32 $0x1, s25  }
0xcd: {  	p0 =	sne.s32 s2, s28  }
.Ltmp1:
0xce: {  	_ = 	snop;
	(pc) =	sbr.rel @p0 .LBB2_1-.Ltmp1, $3  }
0xcf: {  	_ =	sdelay $0x1  }
0xd0: {  	[sflag:s15] =	ssyncset.done $0x0  }
0xd1: {  	[sflag:s15] =	ssyncadd.s32 $0xFFFFC000  }
0xd2: {  	_ =	sfence.sel $0x180000  }
0xd3: {  	[bflag:$0x0] =	sbarrier.arrive $0xFFFF  }
0xd4: {  	_ =	strace $0x90000047  }
0xd5: {  	s0 =	stileid.u32;
	[bflag:$0x2] =	sbarrier.arrive $0xFFFF  }
0xd6: {  	p0 =	sne.s32 s0, $0x0;
	s0 =	rddreg [dreg:$0x3]  }
0xd7: {  	s0 =	sadd.s32 @!p0 $0x100000, s0  }
0xd8: {  	[sflag:s0] =	ssyncadd.tile.s32 @!p0 $0x1;
	_ =	shalt  }
.Lfunc_end2:
_tile_overlayer_lowered:
.L_overlay_start_2:
0xd9: {  	(tag) =	ssettag $0x2  }
0xda: {  	s0 =	rddreg [dreg:$0x0];
	s2 =	stileid.u32  }
0xdb: {  	s1 =	rddreg [dreg:$0x1];
	p0 =	sne.s32 s2, $0x0  }
0xdc: {  	s3 =	rddreg [dreg:$0x2];
	[bflag:$0x3] =	sbarrier.arrive $0xFFFF;
	s2 =	simm.s32 @!p0 $0x1C0D  }
0xdd: {  	[timem:s3], [sflag:s2] =	dma.local @!p0 [hbm:s0], s1  }
0xde: {  	s0 =	simm.s32 @!p0 $0xD  }
0xdf: {  	_ =	swait.ge @!p0 [sflag:s0], s1  }
0xe0: {  	s1 =	ssub.s32 @!p0 $0x0, s1;
	[sflag:s0] =	ssyncset.done @!p0 $0x0  }
0xe1: {  	[sflag:s0] =	ssyncadd.s32 @!p0 s1  }
0xe2: {  	[bflag:$0x3] =	sbarrier.arrive $0xFFFF  }
0xe3: {  	_ =	shalt  }

</sc_bundles>
